<compile_context>
chip_gen: v7x
topology: tpu7x:2x2x1
jax: 0.10.2.dev20260603
libtpu: 0.0.44.dev20260713+nightly
codegen_flags: <defaults>
</compile_context>

<pallas_src>
import jax
import jax.numpy as jnp
from jax import lax
from jax.experimental import pallas as pl
from jax.experimental.pallas import tpu as pltpu
from jax.experimental.pallas import tpu_sc as plsc

_INFO = plsc.get_sparse_core_info()
_NC = _INFO.num_cores
_NS = _INFO.num_subcores
_NW = _NC * _NS

_BATCH = 16384
_SEQ = 50
_B = _BATCH * _SEQ
_D = 64
_DP = 128
_BPW = _BATCH // _NW
_BLK = 128
_NQ = _BPW // _BLK
_NBLK = _SEQ * _NQ


def _transpose_block(gb, ob, row_vecs):
    @plsc.parallel_loop(0, _D, unroll=8)
    def _(c):
        cols = jnp.full((16,), c, jnp.int32)
        for k in range(_BLK // 16):
            ob[c, pl.ds(k * 16, 16)] = plsc.load_gather(
                gb, [row_vecs[k], cols])


def _body(tok_hbm, w_hbm, out_hbm, idxraw, idxs0, idxs1,
          gb0, gb1, ob0, ob1, gs0, gs1, os0, os1):
    idxs = (idxs0, idxs1)
    gbs = (gb0, gb1)
    obs = (ob0, ob1)
    gsems = (gs0, gs1)
    osems = (os0, os1)

    wid = lax.axis_index("s") * _NC + lax.axis_index("c")
    b0 = wid * _BPW
    pltpu.sync_copy(tok_hbm.at[pl.ds(b0 * _SEQ, _BPW * _SEQ)], idxraw)

    iota16 = lax.broadcasted_iota(jnp.int32, (16,), 0)
    iota_s = iota16 * _SEQ
    row_vecs = [k * 16 + iota16 for k in range(_BLK // 16)]

    def build_and_fire(blk, p):
        s = lax.shift_right_logical(blk, 2)
        q = lax.bitwise_and(blk, 3)
        base = (q * _BLK) * _SEQ + s
        for j0 in range(0, _BLK, 16):
            pos = iota_s + (base + j0 * _SEQ)
            idxs[p][pl.ds(j0, 16)] = plsc.load_gather(idxraw, [pos])
        pltpu.async_copy(w_hbm.at[idxs[p]], gbs[p], gsems[p])

    build_and_fire(0, 0)
    build_and_fire(1, 1)

    def outer(t, carry):
        for p in range(2):
            blk = 2 * t + p
            pltpu.make_async_copy(
                w_hbm.at[idxs[p]], gbs[p], gsems[p]).wait()

            @pl.when(blk >= 2)
            def _():
                pltpu.make_async_copy(
                    obs[p], out_hbm.at[0, :, pl.ds(0, _BLK)],
                    osems[p]).wait()

            _transpose_block(gbs[p], obs[p], row_vecs)

            s = lax.shift_right_logical(blk, 2)
            q = lax.bitwise_and(blk, 3)
            pltpu.async_copy(
                obs[p],
                out_hbm.at[s, :, pl.ds(b0 + q * _BLK, _BLK)],
                osems[p])

            @pl.when(blk + 2 < _NBLK)
            def _():
                build_and_fire(blk + 2, p)
        return carry

    lax.fori_loop(0, _NBLK // 2, outer, 0)

    for p in range(2):
        pltpu.make_async_copy(
            obs[p], out_hbm.at[0, :, pl.ds(0, _BLK)], osems[p]).wait()


def kernel(token_ids, weight):
    tok = token_ids.reshape(_B)
    wpad = jnp.pad(weight, ((0, 0), (0, _DP - _D)))
    mesh = plsc.VectorSubcoreMesh(core_axis_name="c", subcore_axis_name="s")
    out_t = pl.kernel(
        _body,
        mesh=mesh,
        compiler_params=pltpu.CompilerParams(
            use_tc_tiling_on_sc=True, needs_layout_passes=False),
        out_type=jax.ShapeDtypeStruct((_SEQ, _D, _BATCH), jnp.float32),
        scratch_types=[
            pltpu.VMEM((_BPW * _SEQ,), jnp.int32),
            pltpu.VMEM((_BLK,), jnp.int32),
            pltpu.VMEM((_BLK,), jnp.int32),
            pltpu.VMEM((_BLK, _DP), jnp.float32),
            pltpu.VMEM((_BLK, _DP), jnp.float32),
            pltpu.VMEM((_D, _BLK), jnp.float32),
            pltpu.VMEM((_D, _BLK), jnp.float32),
        ] + [pltpu.SemaphoreType.DMA for _ in range(4)],
    )(tok, wpad)
    return jnp.transpose(out_t, (2, 0, 1))

# --- scband reference (transcript-rebuilt; emitter-appended) ---
"""Pipeline reference for scband-embedding-532575944951 (READ-ONLY COPY).

The authoritative reference and input builder live on the scoring server;
editing this copy changes nothing except your own understanding.
"""

import jax, jax.numpy as jnp
import numpy as np

NUM_EMBEDDINGS = 1000000
EMBEDDING_DIM = 64

def setup_inputs(seed: int = 0) -> dict:
    key = jax.random.key(seed)
    k_idx, k_w = jax.random.split(key)
    token_ids = jax.random.randint(k_idx, (16384, 50), 0, NUM_EMBEDDINGS, dtype=jnp.int64 if jax.config.read('jax_enable_x64') else jnp.int32)
    # trunc_normal init (mean=0, std=1, a=-3, b=3)
    weight = jax.random.truncated_normal(k_w, -3.0, 3.0, (NUM_EMBEDDINGS, EMBEDDING_DIM), dtype=jnp.float32)
    return {"token_ids": token_ids, "weight": weight}

def reference(token_ids, weight):
    # Faithful translation of: self.weight[token_ids]
    return jnp.take(weight, token_ids, axis=0)

if __name__ == "__main__":
    import jax
    _d = setup_inputs()
    print(jax.jit(kernel)(*tuple(_d.values())))

</pallas_src>

<mosaic_0001>
#map = affine_map<(d0, d1) -> (0)>
#map1 = affine_map<(d0, d1) -> (0, 0)>
#map2 = affine_map<(d0, d1) -> (0, 0, 0)>
module attributes {stable_mosaic.version = 14 : i64} {
  func.func @_body(%arg0: i32, %arg1: i32, %arg2: memref<819200xi32, #tpu.memory_space<hbm>>, %arg3: memref<1000000x128xf32, #tpu.memory_space<hbm>>, %arg4: memref<50x64x16384xf32, #tpu.memory_space<hbm>>, %arg5: memref<25600xi32, #tpu.memory_space<vmem>>, %arg6: memref<128xi32, #tpu.memory_space<vmem>>, %arg7: memref<128xi32, #tpu.memory_space<vmem>>, %arg8: memref<128x128xf32, #tpu.memory_space<vmem>>, %arg9: memref<128x128xf32, #tpu.memory_space<vmem>>, %arg10: memref<64x128xf32, #tpu.memory_space<vmem>>, %arg11: memref<64x128xf32, #tpu.memory_space<vmem>>, %arg12: memref<!tpu.dma_semaphore, #tpu.memory_space<semaphore_mem>>, %arg13: memref<!tpu.dma_semaphore, #tpu.memory_space<semaphore_mem>>, %arg14: memref<!tpu.dma_semaphore, #tpu.memory_space<semaphore_mem>>, %arg15: memref<!tpu.dma_semaphore, #tpu.memory_space<semaphore_mem>>) attributes {dimension_semantics = [#tpu.dimension_semantics<core_parallel>, #tpu.dimension_semantics<subcore_parallel>], iteration_bounds = array<i64: 2, 16>, scalar_prefetch = 0 : i64, scratch_operands = 11 : i64, tpu.core_type = #tpu.core_type<sc_vector_subcore>, window_params = [{transform_indices = #map}, {transform_indices = #map1}, {transform_indices = #map2}]} {
    %mul3A = arith.constant 2 : i32
    %mul3A_0 = arith.muli %arg1, %mul3A : i32
    %add3A = arith.addi %mul3A_0, %arg0 : i32
    %mul3A_1 = arith.constant 512 : i32
    %mul3A_2 = arith.muli %add3A, %mul3A_1 : i32
    %mul3A_3 = arith.constant 50 : i32
    %mul3A_4 = arith.muli %mul3A_2, %mul3A_3 : i32
    "tpu.region"() ({
      %run_scoped3A = tpu.sem_alloc : memref<!tpu.dma_semaphore, #tpu.memory_space<semaphore_mem>>
      %dma_start3A_189 = tpu.memref_slice %arg2[%mul3A_4] : memref<819200xi32, #tpu.memory_space<hbm>> -> memref<25600xi32, #tpu.memory_space<hbm>>
      %dma_start3A_190 = tpu.memref_slice %arg2[%mul3A_4] : memref<819200xi32, #tpu.memory_space<hbm>> -> memref<25600xi32, #tpu.memory_space<hbm>>
      tpu.enqueue_dma source(%dma_start3A_190 : memref<25600xi32, #tpu.memory_space<hbm>>) target(%arg5 : memref<25600xi32, #tpu.memory_space<vmem>>) target_semaphore(%run_scoped3A : memref<!tpu.dma_semaphore, #tpu.memory_space<semaphore_mem>>)
      %dma_wait3A_191 = tpu.memref_slice %arg2[%mul3A_4] : memref<819200xi32, #tpu.memory_space<hbm>> -> memref<25600xi32, #tpu.memory_space<hbm>>
      %dma_wait3A_192 = tpu.memref_slice %arg2[%mul3A_4] : memref<819200xi32, #tpu.memory_space<hbm>> -> memref<25600xi32, #tpu.memory_space<hbm>>
      tpu.wait_dma2 semaphore(%run_scoped3A : memref<!tpu.dma_semaphore, #tpu.memory_space<semaphore_mem>>) src(%dma_wait3A_192 : memref<25600xi32, #tpu.memory_space<hbm>>) dst(%arg5 : memref<25600xi32, #tpu.memory_space<vmem>>)
      tpu.yield
    }) : () -> ()
    %iota3A = tpu.iota {dimensions = array<i32: 0>} : vector<16xi32>
    %mul3A_5 = arith.constant 50 : i32
    %mul3A_6 = vector.broadcast %mul3A_5 : i32 to vector<16xi32>
    %mul3A_7 = arith.muli %iota3A, %mul3A_6 : vector<16xi32>
    %add3A_8 = arith.constant 0 : i32
    %add3A_9 = vector.broadcast %add3A_8 : i32 to vector<16xi32>
    %add3A_10 = arith.addi %add3A_9, %iota3A : vector<16xi32>
    %add3A_11 = arith.constant 16 : i32
    %add3A_12 = vector.broadcast %add3A_11 : i32 to vector<16xi32>
    %add3A_13 = arith.addi %add3A_12, %iota3A : vector<16xi32>
    %add3A_14 = arith.constant 32 : i32
    %add3A_15 = vector.broadcast %add3A_14 : i32 to vector<16xi32>
    %add3A_16 = arith.addi %add3A_15, %iota3A : vector<16xi32>
    %add3A_17 = arith.constant 48 : i32
    %add3A_18 = vector.broadcast %add3A_17 : i32 to vector<16xi32>
    %add3A_19 = arith.addi %add3A_18, %iota3A : vector<16xi32>
    %add3A_20 = arith.constant 64 : i32
    %add3A_21 = vector.broadcast %add3A_20 : i32 to vector<16xi32>
    %add3A_22 = arith.addi %add3A_21, %iota3A : vector<16xi32>
    %add3A_23 = arith.constant 80 : i32
    %add3A_24 = vector.broadcast %add3A_23 : i32 to vector<16xi32>
    %add3A_25 = arith.addi %add3A_24, %iota3A : vector<16xi32>
    %add3A_26 = arith.constant 96 : i32
    %add3A_27 = vector.broadcast %add3A_26 : i32 to vector<16xi32>
    %add3A_28 = arith.addi %add3A_27, %iota3A : vector<16xi32>
    %add3A_29 = arith.constant 112 : i32
    %add3A_30 = vector.broadcast %add3A_29 : i32 to vector<16xi32>
    %add3A_31 = arith.addi %add3A_30, %iota3A : vector<16xi32>
    %shift_right_logical3A = arith.constant 0 : i32
    %shift_right_logical3A_32 = arith.constant 2 : i32
    %shift_right_logical3A_33 = arith.shrui %shift_right_logical3A, %shift_right_logical3A_32 : i32
    %and3A = arith.constant 0 : i32
    %and3A_34 = arith.constant 3 : i32
    %and3A_35 = arith.andi %and3A, %and3A_34 : i32
    %mul3A_36 = arith.constant 128 : i32
    %mul3A_37 = arith.muli %and3A_35, %mul3A_36 : i32
    %mul3A_38 = arith.constant 50 : i32
    %mul3A_39 = arith.muli %mul3A_37, %mul3A_38 : i32
    %add3A_40 = arith.addi %mul3A_39, %shift_right_logical3A_33 : i32
    %add3A_41 = arith.constant 0 : i32
    %add3A_42 = arith.addi %add3A_40, %add3A_41 : i32
    %add3A_43 = vector.broadcast %add3A_42 : i32 to vector<16xi32>
    %add3A_44 = arith.addi %mul3A_7, %add3A_43 : vector<16xi32>
    %gather3A = tpu.vector_load_idx %arg5[%add3A_44] : memref<25600xi32, #tpu.memory_space<vmem>>[vector<16xi32>], vector<16xi32>,
    %swap3A = arith.constant 0 : index
    %swap3A_45 = tpu.vector_load %arg6[%swap3A] {strides = array<i32>} : memref<128xi32, #tpu.memory_space<vmem>>, vector<16xi32>,
    tpu.vector_store %arg6[%swap3A], %gather3A {strides = array<i32>} : memref<128xi32, #tpu.memory_space<vmem>>, vector<16xi32>,
    %add3A_46 = arith.constant 800 : i32
    %add3A_47 = arith.addi %add3A_40, %add3A_46 : i32
    %add3A_48 = vector.broadcast %add3A_47 : i32 to vector<16xi32>
    %add3A_49 = arith.addi %mul3A_7, %add3A_48 : vector<16xi32>
    %gather3A_50 = tpu.vector_load_idx %arg5[%add3A_49] : memref<25600xi32, #tpu.memory_space<vmem>>[vector<16xi32>], vector<16xi32>,
    %swap3A_51 = arith.constant 16 : index
    %swap3A_52 = tpu.vector_load %arg6[%swap3A_51] {strides = array<i32>} : memref<128xi32, #tpu.memory_space<vmem>>, vector<16xi32>,
    tpu.vector_store %arg6[%swap3A_51], %gather3A_50 {strides = array<i32>} : memref<128xi32, #tpu.memory_space<vmem>>, vector<16xi32>,
    %add3A_53 = arith.constant 1600 : i32
    %add3A_54 = arith.addi %add3A_40, %add3A_53 : i32
    %add3A_55 = vector.broadcast %add3A_54 : i32 to vector<16xi32>
    %add3A_56 = arith.addi %mul3A_7, %add3A_55 : vector<16xi32>
    %gather3A_57 = tpu.vector_load_idx %arg5[%add3A_56] : memref<25600xi32, #tpu.memory_space<vmem>>[vector<16xi32>], vector<16xi32>,
    %swap3A_58 = arith.constant 32 : index
    %swap3A_59 = tpu.vector_load %arg6[%swap3A_58] {strides = array<i32>} : memref<128xi32, #tpu.memory_space<vmem>>, vector<16xi32>,
    tpu.vector_store %arg6[%swap3A_58], %gather3A_57 {strides = array<i32>} : memref<128xi32, #tpu.memory_space<vmem>>, vector<16xi32>,
    %add3A_60 = arith.constant 2400 : i32
    %add3A_61 = arith.addi %add3A_40, %add3A_60 : i32
    %add3A_62 = vector.broadcast %add3A_61 : i32 to vector<16xi32>
    %add3A_63 = arith.addi %mul3A_7, %add3A_62 : vector<16xi32>
    %gather3A_64 = tpu.vector_load_idx %arg5[%add3A_63] : memref<25600xi32, #tpu.memory_space<vmem>>[vector<16xi32>], vector<16xi32>,
    %swap3A_65 = arith.constant 48 : index
    %swap3A_66 = tpu.vector_load %arg6[%swap3A_65] {strides = array<i32>} : memref<128xi32, #tpu.memory_space<vmem>>, vector<16xi32>,
    tpu.vector_store %arg6[%swap3A_65], %gather3A_64 {strides = array<i32>} : memref<128xi32, #tpu.memory_space<vmem>>, vector<16xi32>,
    %add3A_67 = arith.constant 3200 : i32
    %add3A_68 = arith.addi %add3A_40, %add3A_67 : i32
    %add3A_69 = vector.broadcast %add3A_68 : i32 to vector<16xi32>
    %add3A_70 = arith.addi %mul3A_7, %add3A_69 : vector<16xi32>
    %gather3A_71 = tpu.vector_load_idx %arg5[%add3A_70] : memref<25600xi32, #tpu.memory_space<vmem>>[vector<16xi32>], vector<16xi32>,
    %swap3A_72 = arith.constant 64 : index
    %swap3A_73 = tpu.vector_load %arg6[%swap3A_72] {strides = array<i32>} : memref<128xi32, #tpu.memory_space<vmem>>, vector<16xi32>,
    tpu.vector_store %arg6[%swap3A_72], %gather3A_71 {strides = array<i32>} : memref<128xi32, #tpu.memory_space<vmem>>, vector<16xi32>,
    %add3A_74 = arith.constant 4000 : i32
    %add3A_75 = arith.addi %add3A_40, %add3A_74 : i32
    %add3A_76 = vector.broadcast %add3A_75 : i32 to vector<16xi32>
    %add3A_77 = arith.addi %mul3A_7, %add3A_76 : vector<16xi32>
    %gather3A_78 = tpu.vector_load_idx %arg5[%add3A_77] : memref<25600xi32, #tpu.memory_space<vmem>>[vector<16xi32>], vector<16xi32>,
    %swap3A_79 = arith.constant 80 : index
    %swap3A_80 = tpu.vector_load %arg6[%swap3A_79] {strides = array<i32>} : memref<128xi32, #tpu.memory_space<vmem>>, vector<16xi32>,
    tpu.vector_store %arg6[%swap3A_79], %gather3A_78 {strides = array<i32>} : memref<128xi32, #tpu.memory_space<vmem>>, vector<16xi32>,
    %add3A_81 = arith.constant 4800 : i32
    %add3A_82 = arith.addi %add3A_40, %add3A_81 : i32
    %add3A_83 = vector.broadcast %add3A_82 : i32 to vector<16xi32>
    %add3A_84 = arith.addi %mul3A_7, %add3A_83 : vector<16xi32>
    %gather3A_85 = tpu.vector_load_idx %arg5[%add3A_84] : memref<25600xi32, #tpu.memory_space<vmem>>[vector<16xi32>], vector<16xi32>,
    %swap3A_86 = arith.constant 96 : index
    %swap3A_87 = tpu.vector_load %arg6[%swap3A_86] {strides = array<i32>} : memref<128xi32, #tpu.memory_space<vmem>>, vector<16xi32>,
    tpu.vector_store %arg6[%swap3A_86], %gather3A_85 {strides = array<i32>} : memref<128xi32, #tpu.memory_space<vmem>>, vector<16xi32>,
    %add3A_88 = arith.constant 5600 : i32
    %add3A_89 = arith.addi %add3A_40, %add3A_88 : i32
    %add3A_90 = vector.broadcast %add3A_89 : i32 to vector<16xi32>
    %add3A_91 = arith.addi %mul3A_7, %add3A_90 : vector<16xi32>
    %gather3A_92 = tpu.vector_load_idx %arg5[%add3A_91] : memref<25600xi32, #tpu.memory_space<vmem>>[vector<16xi32>], vector<16xi32>,
    %swap3A_93 = arith.constant 112 : index
    %swap3A_94 = tpu.vector_load %arg6[%swap3A_93] {strides = array<i32>} : memref<128xi32, #tpu.memory_space<vmem>>, vector<16xi32>,
    tpu.vector_store %arg6[%swap3A_93], %gather3A_92 {strides = array<i32>} : memref<128xi32, #tpu.memory_space<vmem>>, vector<16xi32>,
    %dma_start3A = arith.constant 0 : i32
    %dma_start3A_95 = arith.constant 0 : i32
    %dma_start3A_96 = tpu.memref_slice %arg3[%dma_start3A, %dma_start3A_95] : memref<1000000x128xf32, #tpu.memory_space<hbm>> -> memref<1000000x128xf32, #tpu.memory_space<hbm>>
    tpu.enqueue_indirect_dma source(%dma_start3A_96 : memref<1000000x128xf32, #tpu.memory_space<hbm>>) target(%arg8 : memref<128x128xf32, #tpu.memory_space<vmem>>) offsets(%arg6 : memref<128xi32, #tpu.memory_space<vmem>>) semaphore(%arg12 : memref<!tpu.dma_semaphore, #tpu.memory_space<semaphore_mem>>)
    %shift_right_logical3A_97 = arith.constant 1 : i32
    %shift_right_logical3A_98 = arith.constant 2 : i32
    %shift_right_logical3A_99 = arith.shrui %shift_right_logical3A_97, %shift_right_logical3A_98 : i32
    %and3A_100 = arith.constant 1 : i32
    %and3A_101 = arith.constant 3 : i32
    %and3A_102 = arith.andi %and3A_100, %and3A_101 : i32
    %mul3A_103 = arith.constant 128 : i32
    %mul3A_104 = arith.muli %and3A_102, %mul3A_103 : i32
    %mul3A_105 = arith.constant 50 : i32
    %mul3A_106 = arith.muli %mul3A_104, %mul3A_105 : i32
    %add3A_107 = arith.addi %mul3A_106, %shift_right_logical3A_99 : i32
    %add3A_108 = arith.constant 0 : i32
    %add3A_109 = arith.addi %add3A_107, %add3A_108 : i32
    %add3A_110 = vector.broadcast %add3A_109 : i32 to vector<16xi32>
    %add3A_111 = arith.addi %mul3A_7, %add3A_110 : vector<16xi32>
    %gather3A_112 = tpu.vector_load_idx %arg5[%add3A_111] : memref<25600xi32, #tpu.memory_space<vmem>>[vector<16xi32>], vector<16xi32>,
    %swap3A_113 = arith.constant 0 : index
    %swap3A_114 = tpu.vector_load %arg7[%swap3A_113] {strides = array<i32>} : memref<128xi32, #tpu.memory_space<vmem>>, vector<16xi32>,
    tpu.vector_store %arg7[%swap3A_113], %gather3A_112 {strides = array<i32>} : memref<128xi32, #tpu.memory_space<vmem>>, vector<16xi32>,
    %add3A_115 = arith.constant 800 : i32
    %add3A_116 = arith.addi %add3A_107, %add3A_115 : i32
    %add3A_117 = vector.broadcast %add3A_116 : i32 to vector<16xi32>
    %add3A_118 = arith.addi %mul3A_7, %add3A_117 : vector<16xi32>
    %gather3A_119 = tpu.vector_load_idx %arg5[%add3A_118] : memref<25600xi32, #tpu.memory_space<vmem>>[vector<16xi32>], vector<16xi32>,
    %swap3A_120 = arith.constant 16 : index
    %swap3A_121 = tpu.vector_load %arg7[%swap3A_120] {strides = array<i32>} : memref<128xi32, #tpu.memory_space<vmem>>, vector<16xi32>,
    tpu.vector_store %arg7[%swap3A_120], %gather3A_119 {strides = array<i32>} : memref<128xi32, #tpu.memory_space<vmem>>, vector<16xi32>,
    %add3A_122 = arith.constant 1600 : i32
    %add3A_123 = arith.addi %add3A_107, %add3A_122 : i32
    %add3A_124 = vector.broadcast %add3A_123 : i32 to vector<16xi32>
    %add3A_125 = arith.addi %mul3A_7, %add3A_124 : vector<16xi32>
    %gather3A_126 = tpu.vector_load_idx %arg5[%add3A_125] : memref<25600xi32, #tpu.memory_space<vmem>>[vector<16xi32>], vector<16xi32>,
    %swap3A_127 = arith.constant 32 : index
    %swap3A_128 = tpu.vector_load %arg7[%swap3A_127] {strides = array<i32>} : memref<128xi32, #tpu.memory_space<vmem>>, vector<16xi32>,
    tpu.vector_store %arg7[%swap3A_127], %gather3A_126 {strides = array<i32>} : memref<128xi32, #tpu.memory_space<vmem>>, vector<16xi32>,
    %add3A_129 = arith.constant 2400 : i32
    %add3A_130 = arith.addi %add3A_107, %add3A_129 : i32
    %add3A_131 = vector.broadcast %add3A_130 : i32 to vector<16xi32>
    %add3A_132 = arith.addi %mul3A_7, %add3A_131 : vector<16xi32>
    %gather3A_133 = tpu.vector_load_idx %arg5[%add3A_132] : memref<25600xi32, #tpu.memory_space<vmem>>[vector<16xi32>], vector<16xi32>,
    %swap3A_134 = arith.constant 48 : index
    %swap3A_135 = tpu.vector_load %arg7[%swap3A_134] {strides = array<i32>} : memref<128xi32, #tpu.memory_space<vmem>>, vector<16xi32>,
    tpu.vector_store %arg7[%swap3A_134], %gather3A_133 {strides = array<i32>} : memref<128xi32, #tpu.memory_space<vmem>>, vector<16xi32>,
    %add3A_136 = arith.constant 3200 : i32
    %add3A_137 = arith.addi %add3A_107, %add3A_136 : i32
    %add3A_138 = vector.broadcast %add3A_137 : i32 to vector<16xi32>
    %add3A_139 = arith.addi %mul3A_7, %add3A_138 : vector<16xi32>
    %gather3A_140 = tpu.vector_load_idx %arg5[%add3A_139] : memref<25600xi32, #tpu.memory_space<vmem>>[vector<16xi32>], vector<16xi32>,
    %swap3A_141 = arith.constant 64 : index
    %swap3A_142 = tpu.vector_load %arg7[%swap3A_141] {strides = array<i32>} : memref<128xi32, #tpu.memory_space<vmem>>, vector<16xi32>,
    tpu.vector_store %arg7[%swap3A_141], %gather3A_140 {strides = array<i32>} : memref<128xi32, #tpu.memory_space<vmem>>, vector<16xi32>,
    %add3A_143 = arith.constant 4000 : i32
    %add3A_144 = arith.addi %add3A_107, %add3A_143 : i32
    %add3A_145 = vector.broadcast %add3A_144 : i32 to vector<16xi32>
    %add3A_146 = arith.addi %mul3A_7, %add3A_145 : vector<16xi32>
    %gather3A_147 = tpu.vector_load_idx %arg5[%add3A_146] : memref<25600xi32, #tpu.memory_space<vmem>>[vector<16xi32>], vector<16xi32>,
    %swap3A_148 = arith.constant 80 : index
    %swap3A_149 = tpu.vector_load %arg7[%swap3A_148] {strides = array<i32>} : memref<128xi32, #tpu.memory_space<vmem>>, vector<16xi32>,
    tpu.vector_store %arg7[%swap3A_148], %gather3A_147 {strides = array<i32>} : memref<128xi32, #tpu.memory_space<vmem>>, vector<16xi32>,
    %add3A_150 = arith.constant 4800 : i32
    %add3A_151 = arith.addi %add3A_107, %add3A_150 : i32
    %add3A_152 = vector.broadcast %add3A_151 : i32 to vector<16xi32>
    %add3A_153 = arith.addi %mul3A_7, %add3A_152 : vector<16xi32>
    %gather3A_154 = tpu.vector_load_idx %arg5[%add3A_153] : memref<25600xi32, #tpu.memory_space<vmem>>[vector<16xi32>], vector<16xi32>,
    %swap3A_155 = arith.constant 96 : index
    %swap3A_156 = tpu.vector_load %arg7[%swap3A_155] {strides = array<i32>} : memref<128xi32, #tpu.memory_space<vmem>>, vector<16xi32>,
    tpu.vector_store %arg7[%swap3A_155], %gather3A_154 {strides = array<i32>} : memref<128xi32, #tpu.memory_space<vmem>>, vector<16xi32>,
    %add3A_157 = arith.constant 5600 : i32
    %add3A_158 = arith.addi %add3A_107, %add3A_157 : i32
    %add3A_159 = vector.broadcast %add3A_158 : i32 to vector<16xi32>
    %add3A_160 = arith.addi %mul3A_7, %add3A_159 : vector<16xi32>
    %gather3A_161 = tpu.vector_load_idx %arg5[%add3A_160] : memref<25600xi32, #tpu.memory_space<vmem>>[vector<16xi32>], vector<16xi32>,
    %swap3A_162 = arith.constant 112 : index
    %swap3A_163 = tpu.vector_load %arg7[%swap3A_162] {strides = array<i32>} : memref<128xi32, #tpu.memory_space<vmem>>, vector<16xi32>,
    tpu.vector_store %arg7[%swap3A_162], %gather3A_161 {strides = array<i32>} : memref<128xi32, #tpu.memory_space<vmem>>, vector<16xi32>,
    %dma_start3A_164 = arith.constant 0 : i32
    %dma_start3A_165 = arith.constant 0 : i32
    %dma_start3A_166 = tpu.memref_slice %arg3[%dma_start3A_164, %dma_start3A_165] : memref<1000000x128xf32, #tpu.memory_space<hbm>> -> memref<1000000x128xf32, #tpu.memory_space<hbm>>
    tpu.enqueue_indirect_dma source(%dma_start3A_166 : memref<1000000x128xf32, #tpu.memory_space<hbm>>) target(%arg9 : memref<128x128xf32, #tpu.memory_space<vmem>>) offsets(%arg7 : memref<128xi32, #tpu.memory_space<vmem>>) semaphore(%arg13 : memref<!tpu.dma_semaphore, #tpu.memory_space<semaphore_mem>>)
    %scan3A = arith.constant 0 : i32
    %scan3A_167 = arith.constant 0 : i32
    %scan3A_168 = arith.constant 100 : i32
    %scan3A_169 = arith.addi %scan3A_167, %scan3A_168 : i32
    %scan3A_170 = arith.constant 1 : i32
    scf.for %scan3A_189 = %scan3A_167 to %scan3A_169 step %scan3A_170  : i32 {
      %mul3A_190 = arith.constant 2 : i32
      %mul3A_191 = arith.muli %mul3A_190, %scan3A_189 : i32
      %add3A_192 = arith.constant 0 : i32
      %add3A_193 = arith.addi %mul3A_191, %add3A_192 : i32
      %dma_wait3A_194 = arith.constant 0 : i32
      %dma_wait3A_195 = arith.constant 0 : i32
      %dma_wait3A_196 = tpu.memref_slice %arg3[%dma_wait3A_194, %dma_wait3A_195] : memref<1000000x128xf32, #tpu.memory_space<hbm>> -> memref<1000000x128xf32, #tpu.memory_space<hbm>>
      tpu.wait_indirect_dma semaphore(%arg12 : memref<!tpu.dma_semaphore, #tpu.memory_space<semaphore_mem>>) src(%dma_wait3A_196 : memref<1000000x128xf32, #tpu.memory_space<hbm>>) dst(%arg8 : memref<128x128xf32, #tpu.memory_space<vmem>>)
      %ge3A = arith.constant 2 : i32
      %ge3A_197 = arith.cmpi sge, %add3A_193, %ge3A : i32
      %convert_element_type3A = arith.extui %ge3A_197 : i1 to i32
      %cond3A = arith.constant 0 : i32
      %cond3A_198 = arith.cmpi ne, %convert_element_type3A, %cond3A : i32
      scf.if %cond3A_198 {
        %dma_wait3A_255 = arith.constant 0 : i32
        %dma_wait3A_256 = arith.constant 0 : i32
        %dma_wait3A_257 = arith.constant 0 : i32
        %dma_wait3A_258 = tpu.memref_slice %arg4[%dma_wait3A_255, %dma_wait3A_256, %dma_wait3A_257] : memref<50x64x16384xf32, #tpu.memory_space<hbm>> -> memref<1x64x128xf32, #tpu.memory_space<hbm>>
        %dma_wait3A_259 = tpu.memref_squeeze %dma_wait3A_258 : memref<1x64x128xf32, #tpu.memory_space<hbm>> -> memref<64x128xf32, #tpu.memory_space<hbm>>
        %dma_wait3A_260 = arith.constant 0 : i32
        %dma_wait3A_261 = arith.constant 0 : i32
        %dma_wait3A_262 = tpu.memref_slice %arg4[%dma_wait3A_255, %dma_wait3A_260, %dma_wait3A_261] : memref<50x64x16384xf32, #tpu.memory_space<hbm>> -> memref<1x64x128xf32, #tpu.memory_space<hbm>>
        %dma_wait3A_263 = tpu.memref_squeeze %dma_wait3A_262 : memref<1x64x128xf32, #tpu.memory_space<hbm>> -> memref<64x128xf32, #tpu.memory_space<hbm>>
        tpu.wait_dma2 semaphore(%arg14 : memref<!tpu.dma_semaphore, #tpu.memory_space<semaphore_mem>>) src(%arg10 : memref<64x128xf32, #tpu.memory_space<vmem>>) dst(%dma_wait3A_263 : memref<64x128xf32, #tpu.memory_space<hbm>>)
      } else {
      }
      %parallel_loop3A = arith.constant 0 : i32
      %parallel_loop3A_199 = arith.constant 64 : i32
      %parallel_loop3A_200 = arith.constant 1 : i32
      scf.for %parallel_loop3A_255 = %parallel_loop3A to %parallel_loop3A_199 step %parallel_loop3A_200  : i32 {
        %parallel_loop3A_256 = vector.broadcast %parallel_loop3A_255 : i32 to vector<16xi32>
        %parallel_loop3A_257 = tpu.vector_load_idx %arg8[%add3A_10, %parallel_loop3A_256] : memref<128x128xf32, #tpu.memory_space<vmem>>[vector<16xi32>, vector<16xi32>], vector<16xf32>,
        %parallel_loop3A_258 = arith.index_cast %parallel_loop3A_255 : i32 to index
        %parallel_loop3A_259 = arith.constant 0 : index
        %parallel_loop3A_260 = tpu.vector_load %arg10[%parallel_loop3A_258, %parallel_loop3A_259] {strides = array<i32>} : memref<64x128xf32, #tpu.memory_space<vmem>>, vector<16xf32>,
        tpu.vector_store %arg10[%parallel_loop3A_258, %parallel_loop3A_259], %parallel_loop3A_257 {strides = array<i32>} : memref<64x128xf32, #tpu.memory_space<vmem>>, vector<16xf32>,
        %parallel_loop3A_261 = tpu.vector_load_idx %arg8[%add3A_13, %parallel_loop3A_256] : memref<128x128xf32, #tpu.memory_space<vmem>>[vector<16xi32>, vector<16xi32>], vector<16xf32>,
        %parallel_loop3A_262 = arith.index_cast %parallel_loop3A_255 : i32 to index
        %parallel_loop3A_263 = arith.constant 16 : index
        %parallel_loop3A_264 = tpu.vector_load %arg10[%parallel_loop3A_262, %parallel_loop3A_263] {strides = array<i32>} : memref<64x128xf32, #tpu.memory_space<vmem>>, vector<16xf32>,
        tpu.vector_store %arg10[%parallel_loop3A_262, %parallel_loop3A_263], %parallel_loop3A_261 {strides = array<i32>} : memref<64x128xf32, #tpu.memory_space<vmem>>, vector<16xf32>,
        %parallel_loop3A_265 = tpu.vector_load_idx %arg8[%add3A_16, %parallel_loop3A_256] : memref<128x128xf32, #tpu.memory_space<vmem>>[vector<16xi32>, vector<16xi32>], vector<16xf32>,
        %parallel_loop3A_266 = arith.index_cast %parallel_loop3A_255 : i32 to index
        %parallel_loop3A_267 = arith.constant 32 : index
        %parallel_loop3A_268 = tpu.vector_load %arg10[%parallel_loop3A_266, %parallel_loop3A_267] {strides = array<i32>} : memref<64x128xf32, #tpu.memory_space<vmem>>, vector<16xf32>,
        tpu.vector_store %arg10[%parallel_loop3A_266, %parallel_loop3A_267], %parallel_loop3A_265 {strides = array<i32>} : memref<64x128xf32, #tpu.memory_space<vmem>>, vector<16xf32>,
        %parallel_loop3A_269 = tpu.vector_load_idx %arg8[%add3A_19, %parallel_loop3A_256] : memref<128x128xf32, #tpu.memory_space<vmem>>[vector<16xi32>, vector<16xi32>], vector<16xf32>,
        %parallel_loop3A_270 = arith.index_cast %parallel_loop3A_255 : i32 to index
        %parallel_loop3A_271 = arith.constant 48 : index
        %parallel_loop3A_272 = tpu.vector_load %arg10[%parallel_loop3A_270, %parallel_loop3A_271] {strides = array<i32>} : memref<64x128xf32, #tpu.memory_space<vmem>>, vector<16xf32>,
        tpu.vector_store %arg10[%parallel_loop3A_270, %parallel_loop3A_271], %parallel_loop3A_269 {strides = array<i32>} : memref<64x128xf32, #tpu.memory_space<vmem>>, vector<16xf32>,
        %parallel_loop3A_273 = tpu.vector_load_idx %arg8[%add3A_22, %parallel_loop3A_256] : memref<128x128xf32, #tpu.memory_space<vmem>>[vector<16xi32>, vector<16xi32>], vector<16xf32>,
        %parallel_loop3A_274 = arith.index_cast %parallel_loop3A_255 : i32 to index
        %parallel_loop3A_275 = arith.constant 64 : index
        %parallel_loop3A_276 = tpu.vector_load %arg10[%parallel_loop3A_274, %parallel_loop3A_275] {strides = array<i32>} : memref<64x128xf32, #tpu.memory_space<vmem>>, vector<16xf32>,
        tpu.vector_store %arg10[%parallel_loop3A_274, %parallel_loop3A_275], %parallel_loop3A_273 {strides = array<i32>} : memref<64x128xf32, #tpu.memory_space<vmem>>, vector<16xf32>,
        %parallel_loop3A_277 = tpu.vector_load_idx %arg8[%add3A_25, %parallel_loop3A_256] : memref<128x128xf32, #tpu.memory_space<vmem>>[vector<16xi32>, vector<16xi32>], vector<16xf32>,
        %parallel_loop3A_278 = arith.index_cast %parallel_loop3A_255 : i32 to index
        %parallel_loop3A_279 = arith.constant 80 : index
        %parallel_loop3A_280 = tpu.vector_load %arg10[%parallel_loop3A_278, %parallel_loop3A_279] {strides = array<i32>} : memref<64x128xf32, #tpu.memory_space<vmem>>, vector<16xf32>,
        tpu.vector_store %arg10[%parallel_loop3A_278, %parallel_loop3A_279], %parallel_loop3A_277 {strides = array<i32>} : memref<64x128xf32, #tpu.memory_space<vmem>>, vector<16xf32>,
        %parallel_loop3A_281 = tpu.vector_load_idx %arg8[%add3A_28, %parallel_loop3A_256] : memref<128x128xf32, #tpu.memory_space<vmem>>[vector<16xi32>, vector<16xi32>], vector<16xf32>,
        %parallel_loop3A_282 = arith.index_cast %parallel_loop3A_255 : i32 to index
        %parallel_loop3A_283 = arith.constant 96 : index
        %parallel_loop3A_284 = tpu.vector_load %arg10[%parallel_loop3A_282, %parallel_loop3A_283] {strides = array<i32>} : memref<64x128xf32, #tpu.memory_space<vmem>>, vector<16xf32>,
        tpu.vector_store %arg10[%parallel_loop3A_282, %parallel_loop3A_283], %parallel_loop3A_281 {strides = array<i32>} : memref<64x128xf32, #tpu.memory_space<vmem>>, vector<16xf32>,
        %parallel_loop3A_285 = tpu.vector_load_idx %arg8[%add3A_31, %parallel_loop3A_256] : memref<128x128xf32, #tpu.memory_space<vmem>>[vector<16xi32>, vector<16xi32>], vector<16xf32>,
        %parallel_loop3A_286 = arith.index_cast %parallel_loop3A_255 : i32 to index
        %parallel_loop3A_287 = arith.constant 112 : index
        %parallel_loop3A_288 = tpu.vector_load %arg10[%parallel_loop3A_286, %parallel_loop3A_287] {strides = array<i32>} : memref<64x128xf32, #tpu.memory_space<vmem>>, vector<16xf32>,
        tpu.vector_store %arg10[%parallel_loop3A_286, %parallel_loop3A_287], %parallel_loop3A_285 {strides = array<i32>} : memref<64x128xf32, #tpu.memory_space<vmem>>, vector<16xf32>,
      } {sc.loop_unroll_factor = 8 : i64, sc.parallel_access}
      %shift_right_logical3A_201 = arith.constant 2 : i32
      %shift_right_logical3A_202 = arith.shrui %add3A_193, %shift_right_logical3A_201 : i32
      %and3A_203 = arith.constant 3 : i32
      %and3A_204 = arith.andi %add3A_193, %and3A_203 : i32
      %mul3A_205 = arith.constant 128 : i32
      %mul3A_206 = arith.muli %and3A_204, %mul3A_205 : i32
      %add3A_207 = arith.addi %mul3A_2, %mul3A_206 : i32
      %dma_start3A_208 = arith.constant 0 : i32
      %dma_start3A_209 = tpu.memref_slice %arg4[%shift_right_logical3A_202, %dma_start3A_208, %add3A_207] : memref<50x64x16384xf32, #tpu.memory_space<hbm>> -> memref<1x64x128xf32, #tpu.memory_space<hbm>>
      %dma_start3A_210 = tpu.memref_squeeze %dma_start3A_209 : memref<1x64x128xf32, #tpu.memory_space<hbm>> -> memref<64x128xf32, #tpu.memory_space<hbm>>
      %dma_start3A_211 = arith.constant 0 : i32
      %dma_start3A_212 = tpu.memref_slice %arg4[%shift_right_logical3A_202, %dma_start3A_211, %add3A_207] : memref<50x64x16384xf32, #tpu.memory_space<hbm>> -> memref<1x64x128xf32, #tpu.memory_space<hbm>>
      %dma_start3A_213 = tpu.memref_squeeze %dma_start3A_212 : memref<1x64x128xf32, #tpu.memory_space<hbm>> -> memref<64x128xf32, #tpu.memory_space<hbm>>
      tpu.enqueue_dma source(%arg10 : memref<64x128xf32, #tpu.memory_space<vmem>>) target(%dma_start3A_213 : memref<64x128xf32, #tpu.memory_space<hbm>>) target_semaphore(%arg14 : memref<!tpu.dma_semaphore, #tpu.memory_space<semaphore_mem>>)
      %add3A_214 = arith.constant 2 : i32
      %add3A_215 = arith.addi %add3A_193, %add3A_214 : i32
      %lt3A = arith.constant 200 : i32
      %lt3A_216 = arith.cmpi slt, %add3A_215, %lt3A : i32
      %convert_element_type3A_217 = arith.extui %lt3A_216 : i1 to i32
      %cond3A_218 = arith.constant 0 : i32
      %cond3A_219 = arith.cmpi ne, %convert_element_type3A_217, %cond3A_218 : i32
      scf.if %cond3A_219 {
        %add3A_255 = arith.constant 2 : i32
        %add3A_256 = arith.addi %add3A_193, %add3A_255 : i32
        %shift_right_logical3A_257 = arith.constant 2 : i32
        %shift_right_logical3A_258 = arith.shrui %add3A_256, %shift_right_logical3A_257 : i32
        %and3A_259 = arith.constant 3 : i32
        %and3A_260 = arith.andi %add3A_256, %and3A_259 : i32
        %mul3A_261 = arith.constant 128 : i32
        %mul3A_262 = arith.muli %and3A_260, %mul3A_261 : i32
        %mul3A_263 = arith.constant 50 : i32
        %mul3A_264 = arith.muli %mul3A_262, %mul3A_263 : i32
        %add3A_265 = arith.addi %mul3A_264, %shift_right_logical3A_258 : i32
        %add3A_266 = arith.constant 0 : i32
        %add3A_267 = arith.addi %add3A_265, %add3A_266 : i32
        %add3A_268 = vector.broadcast %add3A_267 : i32 to vector<16xi32>
        %add3A_269 = arith.addi %mul3A_7, %add3A_268 : vector<16xi32>
        %gather3A_270 = tpu.vector_load_idx %arg5[%add3A_269] : memref<25600xi32, #tpu.memory_space<vmem>>[vector<16xi32>], vector<16xi32>,
        %swap3A_271 = arith.constant 0 : index
        %swap3A_272 = tpu.vector_load %arg6[%swap3A_271] {strides = array<i32>} : memref<128xi32, #tpu.memory_space<vmem>>, vector<16xi32>,
        tpu.vector_store %arg6[%swap3A_271], %gather3A_270 {strides = array<i32>} : memref<128xi32, #tpu.memory_space<vmem>>, vector<16xi32>,
        %add3A_273 = arith.constant 800 : i32
        %add3A_274 = arith.addi %add3A_265, %add3A_273 : i32
        %add3A_275 = vector.broadcast %add3A_274 : i32 to vector<16xi32>
        %add3A_276 = arith.addi %mul3A_7, %add3A_275 : vector<16xi32>
        %gather3A_277 = tpu.vector_load_idx %arg5[%add3A_276] : memref<25600xi32, #tpu.memory_space<vmem>>[vector<16xi32>], vector<16xi32>,
        %swap3A_278 = arith.constant 16 : index
        %swap3A_279 = tpu.vector_load %arg6[%swap3A_278] {strides = array<i32>} : memref<128xi32, #tpu.memory_space<vmem>>, vector<16xi32>,
        tpu.vector_store %arg6[%swap3A_278], %gather3A_277 {strides = array<i32>} : memref<128xi32, #tpu.memory_space<vmem>>, vector<16xi32>,
        %add3A_280 = arith.constant 1600 : i32
        %add3A_281 = arith.addi %add3A_265, %add3A_280 : i32
        %add3A_282 = vector.broadcast %add3A_281 : i32 to vector<16xi32>
        %add3A_283 = arith.addi %mul3A_7, %add3A_282 : vector<16xi32>
        %gather3A_284 = tpu.vector_load_idx %arg5[%add3A_283] : memref<25600xi32, #tpu.memory_space<vmem>>[vector<16xi32>], vector<16xi32>,
        %swap3A_285 = arith.constant 32 : index
        %swap3A_286 = tpu.vector_load %arg6[%swap3A_285] {strides = array<i32>} : memref<128xi32, #tpu.memory_space<vmem>>, vector<16xi32>,
        tpu.vector_store %arg6[%swap3A_285], %gather3A_284 {strides = array<i32>} : memref<128xi32, #tpu.memory_space<vmem>>, vector<16xi32>,
        %add3A_287 = arith.constant 2400 : i32
        %add3A_288 = arith.addi %add3A_265, %add3A_287 : i32
        %add3A_289 = vector.broadcast %add3A_288 : i32 to vector<16xi32>
        %add3A_290 = arith.addi %mul3A_7, %add3A_289 : vector<16xi32>
        %gather3A_291 = tpu.vector_load_idx %arg5[%add3A_290] : memref<25600xi32, #tpu.memory_space<vmem>>[vector<16xi32>], vector<16xi32>,
        %swap3A_292 = arith.constant 48 : index
        %swap3A_293 = tpu.vector_load %arg6[%swap3A_292] {strides = array<i32>} : memref<128xi32, #tpu.memory_space<vmem>>, vector<16xi32>,
        tpu.vector_store %arg6[%swap3A_292], %gather3A_291 {strides = array<i32>} : memref<128xi32, #tpu.memory_space<vmem>>, vector<16xi32>,
        %add3A_294 = arith.constant 3200 : i32
        %add3A_295 = arith.addi %add3A_265, %add3A_294 : i32
        %add3A_296 = vector.broadcast %add3A_295 : i32 to vector<16xi32>
        %add3A_297 = arith.addi %mul3A_7, %add3A_296 : vector<16xi32>
        %gather3A_298 = tpu.vector_load_idx %arg5[%add3A_297] : memref<25600xi32, #tpu.memory_space<vmem>>[vector<16xi32>], vector<16xi32>,
        %swap3A_299 = arith.constant 64 : index
        %swap3A_300 = tpu.vector_load %arg6[%swap3A_299] {strides = array<i32>} : memref<128xi32, #tpu.memory_space<vmem>>, vector<16xi32>,
        tpu.vector_store %arg6[%swap3A_299], %gather3A_298 {strides = array<i32>} : memref<128xi32, #tpu.memory_space<vmem>>, vector<16xi32>,
        %add3A_301 = arith.constant 4000 : i32
        %add3A_302 = arith.addi %add3A_265, %add3A_301 : i32
        %add3A_303 = vector.broadcast %add3A_302 : i32 to vector<16xi32>
        %add3A_304 = arith.addi %mul3A_7, %add3A_303 : vector<16xi32>
        %gather3A_305 = tpu.vector_load_idx %arg5[%add3A_304] : memref<25600xi32, #tpu.memory_space<vmem>>[vector<16xi32>], vector<16xi32>,
        %swap3A_306 = arith.constant 80 : index
        %swap3A_307 = tpu.vector_load %arg6[%swap3A_306] {strides = array<i32>} : memref<128xi32, #tpu.memory_space<vmem>>, vector<16xi32>,
        tpu.vector_store %arg6[%swap3A_306], %gather3A_305 {strides = array<i32>} : memref<128xi32, #tpu.memory_space<vmem>>, vector<16xi32>,
        %add3A_308 = arith.constant 4800 : i32
        %add3A_309 = arith.addi %add3A_265, %add3A_308 : i32
        %add3A_310 = vector.broadcast %add3A_309 : i32 to vector<16xi32>
        %add3A_311 = arith.addi %mul3A_7, %add3A_310 : vector<16xi32>
        %gather3A_312 = tpu.vector_load_idx %arg5[%add3A_311] : memref<25600xi32, #tpu.memory_space<vmem>>[vector<16xi32>], vector<16xi32>,
        %swap3A_313 = arith.constant 96 : index
        %swap3A_314 = tpu.vector_load %arg6[%swap3A_313] {strides = array<i32>} : memref<128xi32, #tpu.memory_space<vmem>>, vector<16xi32>,
        tpu.vector_store %arg6[%swap3A_313], %gather3A_312 {strides = array<i32>} : memref<128xi32, #tpu.memory_space<vmem>>, vector<16xi32>,
        %add3A_315 = arith.constant 5600 : i32
        %add3A_316 = arith.addi %add3A_265, %add3A_315 : i32
        %add3A_317 = vector.broadcast %add3A_316 : i32 to vector<16xi32>
        %add3A_318 = arith.addi %mul3A_7, %add3A_317 : vector<16xi32>
        %gather3A_319 = tpu.vector_load_idx %arg5[%add3A_318] : memref<25600xi32, #tpu.memory_space<vmem>>[vector<16xi32>], vector<16xi32>,
        %swap3A_320 = arith.constant 112 : index
        %swap3A_321 = tpu.vector_load %arg6[%swap3A_320] {strides = array<i32>} : memref<128xi32, #tpu.memory_space<vmem>>, vector<16xi32>,
        tpu.vector_store %arg6[%swap3A_320], %gather3A_319 {strides = array<i32>} : memref<128xi32, #tpu.memory_space<vmem>>, vector<16xi32>,
        %dma_start3A_322 = arith.constant 0 : i32
        %dma_start3A_323 = arith.constant 0 : i32
        %dma_start3A_324 = tpu.memref_slice %arg3[%dma_start3A_322, %dma_start3A_323] : memref<1000000x128xf32, #tpu.memory_space<hbm>> -> memref<1000000x128xf32, #tpu.memory_space<hbm>>
        tpu.enqueue_indirect_dma source(%dma_start3A_324 : memref<1000000x128xf32, #tpu.memory_space<hbm>>) target(%arg8 : memref<128x128xf32, #tpu.memory_space<vmem>>) offsets(%arg6 : memref<128xi32, #tpu.memory_space<vmem>>) semaphore(%arg12 : memref<!tpu.dma_semaphore, #tpu.memory_space<semaphore_mem>>)
      } else {
      }
      %mul3A_220 = arith.constant 2 : i32
      %mul3A_221 = arith.muli %mul3A_220, %scan3A_189 : i32
      %add3A_222 = arith.constant 1 : i32
      %add3A_223 = arith.addi %mul3A_221, %add3A_222 : i32
      %dma_wait3A_224 = arith.constant 0 : i32
      %dma_wait3A_225 = arith.constant 0 : i32
      %dma_wait3A_226 = tpu.memref_slice %arg3[%dma_wait3A_224, %dma_wait3A_225] : memref<1000000x128xf32, #tpu.memory_space<hbm>> -> memref<1000000x128xf32, #tpu.memory_space<hbm>>
      tpu.wait_indirect_dma semaphore(%arg13 : memref<!tpu.dma_semaphore, #tpu.memory_space<semaphore_mem>>) src(%dma_wait3A_226 : memref<1000000x128xf32, #tpu.memory_space<hbm>>) dst(%arg9 : memref<128x128xf32, #tpu.memory_space<vmem>>)
      %ge3A_227 = arith.constant 2 : i32
      %ge3A_228 = arith.cmpi sge, %add3A_223, %ge3A_227 : i32
      %convert_element_type3A_229 = arith.extui %ge3A_228 : i1 to i32
      %cond3A_230 = arith.constant 0 : i32
      %cond3A_231 = arith.cmpi ne, %convert_element_type3A_229, %cond3A_230 : i32
      scf.if %cond3A_231 {
        %dma_wait3A_255 = arith.constant 0 : i32
        %dma_wait3A_256 = arith.constant 0 : i32
        %dma_wait3A_257 = arith.constant 0 : i32
        %dma_wait3A_258 = tpu.memref_slice %arg4[%dma_wait3A_255, %dma_wait3A_256, %dma_wait3A_257] : memref<50x64x16384xf32, #tpu.memory_space<hbm>> -> memref<1x64x128xf32, #tpu.memory_space<hbm>>
        %dma_wait3A_259 = tpu.memref_squeeze %dma_wait3A_258 : memref<1x64x128xf32, #tpu.memory_space<hbm>> -> memref<64x128xf32, #tpu.memory_space<hbm>>
        %dma_wait3A_260 = arith.constant 0 : i32
        %dma_wait3A_261 = arith.constant 0 : i32
        %dma_wait3A_262 = tpu.memref_slice %arg4[%dma_wait3A_255, %dma_wait3A_260, %dma_wait3A_261] : memref<50x64x16384xf32, #tpu.memory_space<hbm>> -> memref<1x64x128xf32, #tpu.memory_space<hbm>>
        %dma_wait3A_263 = tpu.memref_squeeze %dma_wait3A_262 : memref<1x64x128xf32, #tpu.memory_space<hbm>> -> memref<64x128xf32, #tpu.memory_space<hbm>>
        tpu.wait_dma2 semaphore(%arg15 : memref<!tpu.dma_semaphore, #tpu.memory_space<semaphore_mem>>) src(%arg11 : memref<64x128xf32, #tpu.memory_space<vmem>>) dst(%dma_wait3A_263 : memref<64x128xf32, #tpu.memory_space<hbm>>)
      } else {
      }
      %parallel_loop3A_232 = arith.constant 0 : i32
      %parallel_loop3A_233 = arith.constant 64 : i32
      %parallel_loop3A_234 = arith.constant 1 : i32
      scf.for %parallel_loop3A_255 = %parallel_loop3A_232 to %parallel_loop3A_233 step %parallel_loop3A_234  : i32 {
        %parallel_loop3A_256 = vector.broadcast %parallel_loop3A_255 : i32 to vector<16xi32>
        %parallel_loop3A_257 = tpu.vector_load_idx %arg9[%add3A_10, %parallel_loop3A_256] : memref<128x128xf32, #tpu.memory_space<vmem>>[vector<16xi32>, vector<16xi32>], vector<16xf32>,
        %parallel_loop3A_258 = arith.index_cast %parallel_loop3A_255 : i32 to index
        %parallel_loop3A_259 = arith.constant 0 : index
        %parallel_loop3A_260 = tpu.vector_load %arg11[%parallel_loop3A_258, %parallel_loop3A_259] {strides = array<i32>} : memref<64x128xf32, #tpu.memory_space<vmem>>, vector<16xf32>,
        tpu.vector_store %arg11[%parallel_loop3A_258, %parallel_loop3A_259], %parallel_loop3A_257 {strides = array<i32>} : memref<64x128xf32, #tpu.memory_space<vmem>>, vector<16xf32>,
        %parallel_loop3A_261 = tpu.vector_load_idx %arg9[%add3A_13, %parallel_loop3A_256] : memref<128x128xf32, #tpu.memory_space<vmem>>[vector<16xi32>, vector<16xi32>], vector<16xf32>,
        %parallel_loop3A_262 = arith.index_cast %parallel_loop3A_255 : i32 to index
        %parallel_loop3A_263 = arith.constant 16 : index
        %parallel_loop3A_264 = tpu.vector_load %arg11[%parallel_loop3A_262, %parallel_loop3A_263] {strides = array<i32>} : memref<64x128xf32, #tpu.memory_space<vmem>>, vector<16xf32>,
        tpu.vector_store %arg11[%parallel_loop3A_262, %parallel_loop3A_263], %parallel_loop3A_261 {strides = array<i32>} : memref<64x128xf32, #tpu.memory_space<vmem>>, vector<16xf32>,
        %parallel_loop3A_265 = tpu.vector_load_idx %arg9[%add3A_16, %parallel_loop3A_256] : memref<128x128xf32, #tpu.memory_space<vmem>>[vector<16xi32>, vector<16xi32>], vector<16xf32>,
        %parallel_loop3A_266 = arith.index_cast %parallel_loop3A_255 : i32 to index
        %parallel_loop3A_267 = arith.constant 32 : index
        %parallel_loop3A_268 = tpu.vector_load %arg11[%parallel_loop3A_266, %parallel_loop3A_267] {strides = array<i32>} : memref<64x128xf32, #tpu.memory_space<vmem>>, vector<16xf32>,
        tpu.vector_store %arg11[%parallel_loop3A_266, %parallel_loop3A_267], %parallel_loop3A_265 {strides = array<i32>} : memref<64x128xf32, #tpu.memory_space<vmem>>, vector<16xf32>,
        %parallel_loop3A_269 = tpu.vector_load_idx %arg9[%add3A_19, %parallel_loop3A_256] : memref<128x128xf32, #tpu.memory_space<vmem>>[vector<16xi32>, vector<16xi32>], vector<16xf32>,
        %parallel_loop3A_270 = arith.index_cast %parallel_loop3A_255 : i32 to index
        %parallel_loop3A_271 = arith.constant 48 : index
        %parallel_loop3A_272 = tpu.vector_load %arg11[%parallel_loop3A_270, %parallel_loop3A_271] {strides = array<i32>} : memref<64x128xf32, #tpu.memory_space<vmem>>, vector<16xf32>,
        tpu.vector_store %arg11[%parallel_loop3A_270, %parallel_loop3A_271], %parallel_loop3A_269 {strides = array<i32>} : memref<64x128xf32, #tpu.memory_space<vmem>>, vector<16xf32>,
        %parallel_loop3A_273 = tpu.vector_load_idx %arg9[%add3A_22, %parallel_loop3A_256] : memref<128x128xf32, #tpu.memory_space<vmem>>[vector<16xi32>, vector<16xi32>], vector<16xf32>,
        %parallel_loop3A_274 = arith.index_cast %parallel_loop3A_255 : i32 to index
        %parallel_loop3A_275 = arith.constant 64 : index
        %parallel_loop3A_276 = tpu.vector_load %arg11[%parallel_loop3A_274, %parallel_loop3A_275] {strides = array<i32>} : memref<64x128xf32, #tpu.memory_space<vmem>>, vector<16xf32>,
        tpu.vector_store %arg11[%parallel_loop3A_274, %parallel_loop3A_275], %parallel_loop3A_273 {strides = array<i32>} : memref<64x128xf32, #tpu.memory_space<vmem>>, vector<16xf32>,
        %parallel_loop3A_277 = tpu.vector_load_idx %arg9[%add3A_25, %parallel_loop3A_256] : memref<128x128xf32, #tpu.memory_space<vmem>>[vector<16xi32>, vector<16xi32>], vector<16xf32>,
        %parallel_loop3A_278 = arith.index_cast %parallel_loop3A_255 : i32 to index
        %parallel_loop3A_279 = arith.constant 80 : index
        %parallel_loop3A_280 = tpu.vector_load %arg11[%parallel_loop3A_278, %parallel_loop3A_279] {strides = array<i32>} : memref<64x128xf32, #tpu.memory_space<vmem>>, vector<16xf32>,
        tpu.vector_store %arg11[%parallel_loop3A_278, %parallel_loop3A_279], %parallel_loop3A_277 {strides = array<i32>} : memref<64x128xf32, #tpu.memory_space<vmem>>, vector<16xf32>,
        %parallel_loop3A_281 = tpu.vector_load_idx %arg9[%add3A_28, %parallel_loop3A_256] : memref<128x128xf32, #tpu.memory_space<vmem>>[vector<16xi32>, vector<16xi32>], vector<16xf32>,
        %parallel_loop3A_282 = arith.index_cast %parallel_loop3A_255 : i32 to index
        %parallel_loop3A_283 = arith.constant 96 : index
        %parallel_loop3A_284 = tpu.vector_load %arg11[%parallel_loop3A_282, %parallel_loop3A_283] {strides = array<i32>} : memref<64x128xf32, #tpu.memory_space<vmem>>, vector<16xf32>,
        tpu.vector_store %arg11[%parallel_loop3A_282, %parallel_loop3A_283], %parallel_loop3A_281 {strides = array<i32>} : memref<64x128xf32, #tpu.memory_space<vmem>>, vector<16xf32>,
        %parallel_loop3A_285 = tpu.vector_load_idx %arg9[%add3A_31, %parallel_loop3A_256] : memref<128x128xf32, #tpu.memory_space<vmem>>[vector<16xi32>, vector<16xi32>], vector<16xf32>,
        %parallel_loop3A_286 = arith.index_cast %parallel_loop3A_255 : i32 to index
        %parallel_loop3A_287 = arith.constant 112 : index
        %parallel_loop3A_288 = tpu.vector_load %arg11[%parallel_loop3A_286, %parallel_loop3A_287] {strides = array<i32>} : memref<64x128xf32, #tpu.memory_space<vmem>>, vector<16xf32>,
        tpu.vector_store %arg11[%parallel_loop3A_286, %parallel_loop3A_287], %parallel_loop3A_285 {strides = array<i32>} : memref<64x128xf32, #tpu.memory_space<vmem>>, vector<16xf32>,
      } {sc.loop_unroll_factor = 8 : i64, sc.parallel_access}
      %shift_right_logical3A_235 = arith.constant 2 : i32
      %shift_right_logical3A_236 = arith.shrui %add3A_223, %shift_right_logical3A_235 : i32
      %and3A_237 = arith.constant 3 : i32
      %and3A_238 = arith.andi %add3A_223, %and3A_237 : i32
      %mul3A_239 = arith.constant 128 : i32
      %mul3A_240 = arith.muli %and3A_238, %mul3A_239 : i32
      %add3A_241 = arith.addi %mul3A_2, %mul3A_240 : i32
      %dma_start3A_242 = arith.constant 0 : i32
      %dma_start3A_243 = tpu.memref_slice %arg4[%shift_right_logical3A_236, %dma_start3A_242, %add3A_241] : memref<50x64x16384xf32, #tpu.memory_space<hbm>> -> memref<1x64x128xf32, #tpu.memory_space<hbm>>
      %dma_start3A_244 = tpu.memref_squeeze %dma_start3A_243 : memref<1x64x128xf32, #tpu.memory_space<hbm>> -> memref<64x128xf32, #tpu.memory_space<hbm>>
      %dma_start3A_245 = arith.constant 0 : i32
      %dma_start3A_246 = tpu.memref_slice %arg4[%shift_right_logical3A_236, %dma_start3A_245, %add3A_241] : memref<50x64x16384xf32, #tpu.memory_space<hbm>> -> memref<1x64x128xf32, #tpu.memory_space<hbm>>
      %dma_start3A_247 = tpu.memref_squeeze %dma_start3A_246 : memref<1x64x128xf32, #tpu.memory_space<hbm>> -> memref<64x128xf32, #tpu.memory_space<hbm>>
      tpu.enqueue_dma source(%arg11 : memref<64x128xf32, #tpu.memory_space<vmem>>) target(%dma_start3A_247 : memref<64x128xf32, #tpu.memory_space<hbm>>) target_semaphore(%arg15 : memref<!tpu.dma_semaphore, #tpu.memory_space<semaphore_mem>>)
      %add3A_248 = arith.constant 2 : i32
      %add3A_249 = arith.addi %add3A_223, %add3A_248 : i32
      %lt3A_250 = arith.constant 200 : i32
      %lt3A_251 = arith.cmpi slt, %add3A_249, %lt3A_250 : i32
      %convert_element_type3A_252 = arith.extui %lt3A_251 : i1 to i32
      %cond3A_253 = arith.constant 0 : i32
      %cond3A_254 = arith.cmpi ne, %convert_element_type3A_252, %cond3A_253 : i32
      scf.if %cond3A_254 {
        %add3A_255 = arith.constant 2 : i32
        %add3A_256 = arith.addi %add3A_223, %add3A_255 : i32
        %shift_right_logical3A_257 = arith.constant 2 : i32
        %shift_right_logical3A_258 = arith.shrui %add3A_256, %shift_right_logical3A_257 : i32
        %and3A_259 = arith.constant 3 : i32
        %and3A_260 = arith.andi %add3A_256, %and3A_259 : i32
        %mul3A_261 = arith.constant 128 : i32
        %mul3A_262 = arith.muli %and3A_260, %mul3A_261 : i32
        %mul3A_263 = arith.constant 50 : i32
        %mul3A_264 = arith.muli %mul3A_262, %mul3A_263 : i32
        %add3A_265 = arith.addi %mul3A_264, %shift_right_logical3A_258 : i32
        %add3A_266 = arith.constant 0 : i32
        %add3A_267 = arith.addi %add3A_265, %add3A_266 : i32
        %add3A_268 = vector.broadcast %add3A_267 : i32 to vector<16xi32>
        %add3A_269 = arith.addi %mul3A_7, %add3A_268 : vector<16xi32>
        %gather3A_270 = tpu.vector_load_idx %arg5[%add3A_269] : memref<25600xi32, #tpu.memory_space<vmem>>[vector<16xi32>], vector<16xi32>,
        %swap3A_271 = arith.constant 0 : index
        %swap3A_272 = tpu.vector_load %arg7[%swap3A_271] {strides = array<i32>} : memref<128xi32, #tpu.memory_space<vmem>>, vector<16xi32>,
        tpu.vector_store %arg7[%swap3A_271], %gather3A_270 {strides = array<i32>} : memref<128xi32, #tpu.memory_space<vmem>>, vector<16xi32>,
        %add3A_273 = arith.constant 800 : i32
        %add3A_274 = arith.addi %add3A_265, %add3A_273 : i32
        %add3A_275 = vector.broadcast %add3A_274 : i32 to vector<16xi32>
        %add3A_276 = arith.addi %mul3A_7, %add3A_275 : vector<16xi32>
        %gather3A_277 = tpu.vector_load_idx %arg5[%add3A_276] : memref<25600xi32, #tpu.memory_space<vmem>>[vector<16xi32>], vector<16xi32>,
        %swap3A_278 = arith.constant 16 : index
        %swap3A_279 = tpu.vector_load %arg7[%swap3A_278] {strides = array<i32>} : memref<128xi32, #tpu.memory_space<vmem>>, vector<16xi32>,
        tpu.vector_store %arg7[%swap3A_278], %gather3A_277 {strides = array<i32>} : memref<128xi32, #tpu.memory_space<vmem>>, vector<16xi32>,
        %add3A_280 = arith.constant 1600 : i32
        %add3A_281 = arith.addi %add3A_265, %add3A_280 : i32
        %add3A_282 = vector.broadcast %add3A_281 : i32 to vector<16xi32>
        %add3A_283 = arith.addi %mul3A_7, %add3A_282 : vector<16xi32>
        %gather3A_284 = tpu.vector_load_idx %arg5[%add3A_283] : memref<25600xi32, #tpu.memory_space<vmem>>[vector<16xi32>], vector<16xi32>,
        %swap3A_285 = arith.constant 32 : index
        %swap3A_286 = tpu.vector_load %arg7[%swap3A_285] {strides = array<i32>} : memref<128xi32, #tpu.memory_space<vmem>>, vector<16xi32>,
        tpu.vector_store %arg7[%swap3A_285], %gather3A_284 {strides = array<i32>} : memref<128xi32, #tpu.memory_space<vmem>>, vector<16xi32>,
        %add3A_287 = arith.constant 2400 : i32
        %add3A_288 = arith.addi %add3A_265, %add3A_287 : i32
        %add3A_289 = vector.broadcast %add3A_288 : i32 to vector<16xi32>
        %add3A_290 = arith.addi %mul3A_7, %add3A_289 : vector<16xi32>
        %gather3A_291 = tpu.vector_load_idx %arg5[%add3A_290] : memref<25600xi32, #tpu.memory_space<vmem>>[vector<16xi32>], vector<16xi32>,
        %swap3A_292 = arith.constant 48 : index
        %swap3A_293 = tpu.vector_load %arg7[%swap3A_292] {strides = array<i32>} : memref<128xi32, #tpu.memory_space<vmem>>, vector<16xi32>,
        tpu.vector_store %arg7[%swap3A_292], %gather3A_291 {strides = array<i32>} : memref<128xi32, #tpu.memory_space<vmem>>, vector<16xi32>,
        %add3A_294 = arith.constant 3200 : i32
        %add3A_295 = arith.addi %add3A_265, %add3A_294 : i32
        %add3A_296 = vector.broadcast %add3A_295 : i32 to vector<16xi32>
        %add3A_297 = arith.addi %mul3A_7, %add3A_296 : vector<16xi32>
        %gather3A_298 = tpu.vector_load_idx %arg5[%add3A_297] : memref<25600xi32, #tpu.memory_space<vmem>>[vector<16xi32>], vector<16xi32>,
        %swap3A_299 = arith.constant 64 : index
        %swap3A_300 = tpu.vector_load %arg7[%swap3A_299] {strides = array<i32>} : memref<128xi32, #tpu.memory_space<vmem>>, vector<16xi32>,
        tpu.vector_store %arg7[%swap3A_299], %gather3A_298 {strides = array<i32>} : memref<128xi32, #tpu.memory_space<vmem>>, vector<16xi32>,
        %add3A_301 = arith.constant 4000 : i32
        %add3A_302 = arith.addi %add3A_265, %add3A_301 : i32
        %add3A_303 = vector.broadcast %add3A_302 : i32 to vector<16xi32>
        %add3A_304 = arith.addi %mul3A_7, %add3A_303 : vector<16xi32>
        %gather3A_305 = tpu.vector_load_idx %arg5[%add3A_304] : memref<25600xi32, #tpu.memory_space<vmem>>[vector<16xi32>], vector<16xi32>,
        %swap3A_306 = arith.constant 80 : index
        %swap3A_307 = tpu.vector_load %arg7[%swap3A_306] {strides = array<i32>} : memref<128xi32, #tpu.memory_space<vmem>>, vector<16xi32>,
        tpu.vector_store %arg7[%swap3A_306], %gather3A_305 {strides = array<i32>} : memref<128xi32, #tpu.memory_space<vmem>>, vector<16xi32>,
        %add3A_308 = arith.constant 4800 : i32
        %add3A_309 = arith.addi %add3A_265, %add3A_308 : i32
        %add3A_310 = vector.broadcast %add3A_309 : i32 to vector<16xi32>
        %add3A_311 = arith.addi %mul3A_7, %add3A_310 : vector<16xi32>
        %gather3A_312 = tpu.vector_load_idx %arg5[%add3A_311] : memref<25600xi32, #tpu.memory_space<vmem>>[vector<16xi32>], vector<16xi32>,
        %swap3A_313 = arith.constant 96 : index
        %swap3A_314 = tpu.vector_load %arg7[%swap3A_313] {strides = array<i32>} : memref<128xi32, #tpu.memory_space<vmem>>, vector<16xi32>,
        tpu.vector_store %arg7[%swap3A_313], %gather3A_312 {strides = array<i32>} : memref<128xi32, #tpu.memory_space<vmem>>, vector<16xi32>,
        %add3A_315 = arith.constant 5600 : i32
        %add3A_316 = arith.addi %add3A_265, %add3A_315 : i32
        %add3A_317 = vector.broadcast %add3A_316 : i32 to vector<16xi32>
        %add3A_318 = arith.addi %mul3A_7, %add3A_317 : vector<16xi32>
        %gather3A_319 = tpu.vector_load_idx %arg5[%add3A_318] : memref<25600xi32, #tpu.memory_space<vmem>>[vector<16xi32>], vector<16xi32>,
        %swap3A_320 = arith.constant 112 : index
        %swap3A_321 = tpu.vector_load %arg7[%swap3A_320] {strides = array<i32>} : memref<128xi32, #tpu.memory_space<vmem>>, vector<16xi32>,
        tpu.vector_store %arg7[%swap3A_320], %gather3A_319 {strides = array<i32>} : memref<128xi32, #tpu.memory_space<vmem>>, vector<16xi32>,
        %dma_start3A_322 = arith.constant 0 : i32
        %dma_start3A_323 = arith.constant 0 : i32
        %dma_start3A_324 = tpu.memref_slice %arg3[%dma_start3A_322, %dma_start3A_323] : memref<1000000x128xf32, #tpu.memory_space<hbm>> -> memref<1000000x128xf32, #tpu.memory_space<hbm>>
        tpu.enqueue_indirect_dma source(%dma_start3A_324 : memref<1000000x128xf32, #tpu.memory_space<hbm>>) target(%arg9 : memref<128x128xf32, #tpu.memory_space<vmem>>) offsets(%arg7 : memref<128xi32, #tpu.memory_space<vmem>>) semaphore(%arg13 : memref<!tpu.dma_semaphore, #tpu.memory_space<semaphore_mem>>)
      } else {
      }
    }
    %scan3A_171 = arith.constant 100 : i32
    %dma_wait3A = arith.constant 0 : i32
    %dma_wait3A_172 = arith.constant 0 : i32
    %dma_wait3A_173 = arith.constant 0 : i32
    %dma_wait3A_174 = tpu.memref_slice %arg4[%dma_wait3A, %dma_wait3A_172, %dma_wait3A_173] : memref<50x64x16384xf32, #tpu.memory_space<hbm>> -> memref<1x64x128xf32, #tpu.memory_space<hbm>>
    %dma_wait3A_175 = tpu.memref_squeeze %dma_wait3A_174 : memref<1x64x128xf32, #tpu.memory_space<hbm>> -> memref<64x128xf32, #tpu.memory_space<hbm>>
    %dma_wait3A_176 = arith.constant 0 : i32
    %dma_wait3A_177 = arith.constant 0 : i32
    %dma_wait3A_178 = tpu.memref_slice %arg4[%dma_wait3A, %dma_wait3A_176, %dma_wait3A_177] : memref<50x64x16384xf32, #tpu.memory_space<hbm>> -> memref<1x64x128xf32, #tpu.memory_space<hbm>>
    %dma_wait3A_179 = tpu.memref_squeeze %dma_wait3A_178 : memref<1x64x128xf32, #tpu.memory_space<hbm>> -> memref<64x128xf32, #tpu.memory_space<hbm>>
    tpu.wait_dma2 semaphore(%arg14 : memref<!tpu.dma_semaphore, #tpu.memory_space<semaphore_mem>>) src(%arg10 : memref<64x128xf32, #tpu.memory_space<vmem>>) dst(%dma_wait3A_179 : memref<64x128xf32, #tpu.memory_space<hbm>>)
    %dma_wait3A_180 = arith.constant 0 : i32
    %dma_wait3A_181 = arith.constant 0 : i32
    %dma_wait3A_182 = arith.constant 0 : i32
    %dma_wait3A_183 = tpu.memref_slice %arg4[%dma_wait3A_180, %dma_wait3A_181, %dma_wait3A_182] : memref<50x64x16384xf32, #tpu.memory_space<hbm>> -> memref<1x64x128xf32, #tpu.memory_space<hbm>>
    %dma_wait3A_184 = tpu.memref_squeeze %dma_wait3A_183 : memref<1x64x128xf32, #tpu.memory_space<hbm>> -> memref<64x128xf32, #tpu.memory_space<hbm>>
    %dma_wait3A_185 = arith.constant 0 : i32
    %dma_wait3A_186 = arith.constant 0 : i32
    %dma_wait3A_187 = tpu.memref_slice %arg4[%dma_wait3A_180, %dma_wait3A_185, %dma_wait3A_186] : memref<50x64x16384xf32, #tpu.memory_space<hbm>> -> memref<1x64x128xf32, #tpu.memory_space<hbm>>
    %dma_wait3A_188 = tpu.memref_squeeze %dma_wait3A_187 : memref<1x64x128xf32, #tpu.memory_space<hbm>> -> memref<64x128xf32, #tpu.memory_space<hbm>>
    tpu.wait_dma2 semaphore(%arg15 : memref<!tpu.dma_semaphore, #tpu.memory_space<semaphore_mem>>) src(%arg11 : memref<64x128xf32, #tpu.memory_space<vmem>>) dst(%dma_wait3A_188 : memref<64x128xf32, #tpu.memory_space<hbm>>)
    return
  }
}

</mosaic_0001>

<sc_bundles>
// kernel: kernel.3.cloned.1.call-start
scs
__scs_entry_jumppad:
0x0: {  	(pc) =	sbr.rel $0x88, $3  }
0x1: {  	(tag) =	ssettag $0x0;
	lr =	simm.s32 $0x1  }
0x2: {  	[smem:$0x3F9F] =	sst lr;
	_ =	strace $0xD0000000  }
0x3: {  	_ = 	snop  }
0x4: {  	_ = 	snop  }
0x5: {  	_ = 	snop  }
0x6: {  	_ = 	snop  }
0x7: {  	_ = 	snop  }
__scs_overlays_trampoline_lowered:
0x8: {  	[smem:$0x3FAE] =	sst s0  }
0x9: {  	[smem:$0x3FAF] =	sst s1  }
0xa: {  	[smem:$0x3FB0] =	sst s2  }
0xb: {  	[smem:$0x3FB1] =	sst s3  }
0xc: {  	[smem:$0x3FB2] =	sst s4  }
0xd: {  	[smem:$0x3FB3] =	sst s5  }
0xe: {  	[smem:$0x3FB4] =	sst s6  }
0xf: {  	[smem:$0x3FB5] =	sst s7  }
0x10: {  	[smem:$0x3FB6] =	sst s8  }
0x11: {  	[smem:$0x3FB7] =	sst s9;
	s0 =	simm.s32 @!p0 $0x0  }
0x12: {  	s1 =	sld [smem:$0x3F9D];
	s0 =	simm.s32 @p0 $0x1  }
0x13: {  	[smem:$0x3FB8] =	sst s0;
	s0 =	simm.s32 @!p1 $0x0  }
0x14: {  	s2 =	sld [smem:$0x3F9C];
	s0 =	simm.s32 @p1 $0x1  }
0x15: {  	[smem:$0x3FB9] =	sst s0;
	s0 =	simm.s32 @!p2 $0x0  }
0x16: {  	s3 =	sld [smem:$0x3FDB];
	s0 =	simm.s32 @p2 $0x1  }
0x17: {  	s4 =	simm.s32 $0x1BF5;
	[smem:$0x3FBB] =	sst s0  }
0x18: {  	s0 =	sld [smem:$0x3F9E];
	_ =	swait.ge [sflag:s4], $0x0  }
0x19: {  	s7 =	sld [smem:$0x3F9F]  }
0x1a: {  	s8 =	sadd.s32 $0xFFFFE003, lr  }
0x1b: {  	s9 =	sadd.s32 $0xFFFFFEF7, lr;
	s5 =	simm.s32 $0xFFFFFFFF;
	p2 =	slt.u32 s8, $0xFFFFF086  }
0x1c: {  	p1 =	slt.u32 s9, $0xF7A;
	s5 =	simm.s32 @!p2 $0x0  }
0x1d: {  	s5 =	simm.s32 @p1 $0x1;
	p0 =	seq.s32 s7, s2  }
0x1e: {  	s7 =	smul.u32 @!p0 $0xF7A, s2;
	p2 =	seq.s32 @!p0 s5, $0x0  }
0x1f: {  	s9 =	smul.u32 $0xF7A, s1;
	s8 =	simm.s32 @!p0 $0x1BF5;
	p2 =	por !p2, p0  }
0x20: {  	[sflag:s8] =	ssyncset.s32 @!p0 $0xFFFFF086;
	s6 =	sadd.s32 @!p0 s3, s7;
	s7 =	simm.s32 @!p0 $0x108  }
0x21: {  	s3 =	sadd.s32 s3, s9;
	s6 =	sadd.s32 @!p0 $0x88, s6;
	s7 =	simm.s32 @p2 $0x1082  }
0x22: {  	[simem:s7], [sflag:s8] =	dma.local @!p0 [hbm:s6], $0xF7A  }
0x23: {  	s9 =	sor.u32 $0xD0000000, s2;
	s6 =	simm.s32 $0x108;
	_ =	swait.ge @!p0 [sflag:s8], $0x0  }
0x24: {  	s3 =	sadd.s32 $0x88, s3;
	s6 =	simm.s32 @!p1 $0x1082;
	[sflag:s4] =	ssyncset.s32 $0xFFFFF086  }
0x25: {  	[simem:s6], [sflag:s4] =	dma.local [hbm:s3], $0xF7A  }
0x26: {  	[smem:$0x3F9F] =	sst s1;
	(tag) =	ssettag s2;
	_ =	strace s9  }
0x27: {  	s1 =	sld [smem:$0x3FAF]  }
0x28: {  	s2 =	sld [smem:$0x3FB0]  }
0x29: {  	s4 =	sld [smem:$0x3FB2]  }
0x2a: {  	p0 =	seq.s32 s5, $0x0;
	s5 =	sld [smem:$0x3FB3]  }
0x2b: {  	s6 =	sld [smem:$0x3FB4]  }
0x2c: {  	s7 =	sld [smem:$0x3FB5]  }
0x2d: {  	s3 =	simm.s32 $0x108;
	s8 =	sld [smem:$0x3FB6]  }
0x2e: {  	s3 =	simm.s32 @!p0 $0x1082;
	s9 =	sld [smem:$0x3FB7]  }
0x2f: {  	lr =	sadd.s32 s0, s3;
	s0 =	sld [smem:$0x3FAE]  }
0x30: {  	s3 =	sld [smem:$0x3FB1]  }
0x31: {  	[smem:$0x3FBA] =	sst s10  }
0x32: {  	s10 =	sld [smem:$0x3FB8];
	_ =	sdelay $0x3  }
0x33: {  	p0 =	seq.s32 s10, $0x1;
	s10 =	sld [smem:$0x3FBA];
	_ =	sdelay $0x3  }
0x34: {  	[smem:$0x3FBA] =	sst s10  }
0x35: {  	s10 =	sld [smem:$0x3FB9];
	_ =	sdelay $0x3  }
0x36: {  	p1 =	seq.s32 s10, $0x1;
	s10 =	sld [smem:$0x3FBA];
	_ =	sdelay $0x3  }
0x37: {  	[smem:$0x3FBA] =	sst s10  }
0x38: {  	s10 =	sld [smem:$0x3FBB]  }
0x39: {  	_ = 	snop;
	(pc) =	sbr.ind lr, $3  }
0x3a: {  	_ = 	snop  }
0x3b: {  	_ = 	snop  }
0x3c: {  	p2 =	seq.s32 s10, $0x1;
	s10 =	sld [smem:$0x3FBA]  }
0x3d: {  	_ =	shalt  }
0x3e: {  	_ =	shalt  }
0x3f: {  	_ =	shalt  }
0x40: {  	_ =	shalt  }
0x41: {  	_ =	shalt  }
0x42: {  	_ =	shalt  }
0x43: {  	_ =	shalt  }
0x44: {  	_ =	shalt  }
0x45: {  	_ =	shalt  }
0x46: {  	_ =	shalt  }
0x47: {  	_ =	shalt  }
0x48: {  	_ =	shalt  }
0x49: {  	_ =	shalt  }
0x4a: {  	_ =	shalt  }
0x4b: {  	_ =	shalt  }
0x4c: {  	_ =	shalt  }
0x4d: {  	_ =	shalt  }
0x4e: {  	_ =	shalt  }
0x4f: {  	_ =	shalt  }
0x50: {  	_ =	shalt  }
0x51: {  	_ =	shalt  }
0x52: {  	_ =	shalt  }
0x53: {  	_ =	shalt  }
0x54: {  	_ =	shalt  }
0x55: {  	_ =	shalt  }
0x56: {  	_ =	shalt  }
0x57: {  	_ =	shalt  }
0x58: {  	_ =	shalt  }
0x59: {  	_ =	shalt  }
0x5a: {  	_ =	shalt  }
0x5b: {  	_ =	shalt  }
0x5c: {  	_ =	shalt  }
0x5d: {  	_ =	shalt  }
0x5e: {  	_ =	shalt  }
0x5f: {  	_ =	shalt  }
0x60: {  	_ =	shalt  }
0x61: {  	_ =	shalt  }
0x62: {  	_ =	shalt  }
0x63: {  	_ =	shalt  }
0x64: {  	_ =	shalt  }
0x65: {  	_ =	shalt  }
0x66: {  	_ =	shalt  }
0x67: {  	_ =	shalt  }
0x68: {  	_ =	shalt  }
0x69: {  	_ =	shalt  }
0x6a: {  	_ =	shalt  }
0x6b: {  	_ =	shalt  }
0x6c: {  	_ =	shalt  }
0x6d: {  	_ =	shalt  }
0x6e: {  	_ =	shalt  }
0x6f: {  	_ =	shalt  }
0x70: {  	_ =	shalt  }
0x71: {  	_ =	shalt  }
0x72: {  	_ =	shalt  }
0x73: {  	_ =	shalt  }
0x74: {  	_ =	shalt  }
0x75: {  	_ =	shalt  }
0x76: {  	_ =	shalt  }
0x77: {  	_ =	shalt  }
0x78: {  	_ =	shalt  }
0x79: {  	_ =	shalt  }
0x7a: {  	_ =	shalt  }
0x7b: {  	_ =	shalt  }
0x7c: {  	_ =	shalt  }
0x7d: {  	_ =	shalt  }
0x7e: {  	_ =	shalt  }
0x7f: {  	_ =	shalt  }
0x80: {  	_ =	shalt  }
0x81: {  	_ =	shalt  }
0x82: {  	_ =	shalt  }
0x83: {  	_ =	shalt  }
0x84: {  	_ =	shalt  }
0x85: {  	_ =	shalt  }
0x86: {  	_ =	shalt  }
0x87: {  	_ =	shalt  }
.Lfunc_end0:
.L_simem_size_0:
called_computation_lowered:
.L_overlay_start_0:
0x88: {  	s2 =	sld [smem:$0x3FD9]  }
0x89: {  	s3 =	sld [smem:$0x3FFE];
	_ =	sdelay $0x1  }
0x8a: {  	s1 =	srdreg.scid  }
0x8b: {  	s0 =	sand.u32 $0x1, s1  }
0x8c: {  	s17 =	sshll.u32 s0, $0xA;
	s2 =	sadd.s32 s3, s2  }
0x8d: {  	s2 =	sadd.s32 s2, s17  }
0x8e: {  	[smem:$0x3FC6] =	sst s2  }
0x8f: {  	_ = 	snop  }
0x90: {  	s2 =	sld [smem:$0x3FD0];
	(tm) =	ssettm $0x1  }
0x91: {  	s18 =	sld [smem:$0x3FFB];
	_ =	sdelay $0x3  }
0x92: {  	_ =	strace s18  }
0x93: {  	s3 =	sld [smem:$0x3FFC];
	_ =	sdelay $0x3  }
0x94: {  	_ =	strace s3  }
0x95: {  	s3 =	sld [smem:$0x3FFD];
	_ =	sdelay $0x3  }
0x96: {  	_ =	strace s3  }
0x97: {  	_ =	strace $0x8FFFFFFF  }
0x98: {  	s19 =	sld [smem:$0x3FDB];
	_ =	sdelay $0x1  }
0x99: {  	s4 =	simm.s32 $_scs_section_size  }
0x9a: {  	s5 =	simm.s32 $_size__tile_overlayer_lowered;
	s6 =	simm.s32 $_tile_overlayer_lowered  }
0x9b: {  	s22 =	simm.s32 $0x1BFF;
	s21 =	sshll.u32 s6, $0x1;
	s3 =	sadd.s32 s4, s19  }
0x9c: {  	s7 =	simm.s32 $0x0;
	s20 =	sshll.u32 s5, $0x1;
	s5 =	sadd.s32 s21, s3  }
0x9d: {  	[timem:s7], [sflag:s22] =	dma.local [hbm:s5], s20  }
0x9e: {  	_ =	swait.ge [sflag:s22], s20  }
0x9f: {  	s4 =	ssub.s32 $0x0, s20;
	[sflag:s22] =	ssyncset.done $0x0  }
0xa0: {  	[sflag:s22] =	ssyncadd.s32 s4;
	_ =	sdelay $0x1  }
0xa1: {  	s23 =	simm.s32 $0x1B8B  }
0xa2: {  	_ =	swait.ge [sflag:s23], $0x1  }
0xa3: {  	[sflag:s23] =	ssyncset.done $0x0  }
0xa4: {  	s25 =	simm.s32 $0x1B8E;
	s24 =	sld [smem:$0x3FFE];
	[sflag:s23] =	ssyncadd.s32 $0xFFFFFFFF  }
0xa5: {  	s26 =	simm.s32 $execute0_lowered;
	[smem:$0x3FD2] =	sst s25  }
0xa6: {  	s5 =	sshll.u32 s26, $0x1;
	_ =	strace $0x80000046;
	[dreg:$0x1] =	wrdreg $0xFFFFFFFF  }
0xa7: {  	s28 =	simm.s32 $_size_execute0_lowered;
	s3 =	sadd.s32 s3, s5;
	[dreg:$0x0] =	wrdreg $0x0  }
0xa8: {  	s5 =	sshll.u32 s28, $0x1;
	[dreg:$0x2] =	wrdreg s3  }
0xa9: {  	[dreg:$0x3] =	wrdreg s5  }
0xaa: {  	[dreg:$0x4] =	wrdreg $0xC0  }
0xab: {  	_ =	task [dreg:s7], $0x5FFFF  }
0xac: {  	[dreg:$0x1] =	wrdreg $0xFFFFFFFF  }
0xad: {  	[dreg:$0x0] =	wrdreg $0x60  }
0xae: {  	[dreg:$0x2] =	wrdreg s24  }
0xaf: {  	[dreg:$0x3] =	wrdreg s2  }
0xb0: {  	[dreg:$0x4] =	wrdreg $0x9  }
0xb1: {  	_ =	task.clear_ibuf [dreg:s7], $0x5FFFF;
	_ =	strace $0x90000046  }
0xb2: {  	s29 =	simm.s32 $0x9;
	_ =	strace $0x80000048  }
0xb3: {  	_ =	swait.ge [sflag:s29], $0x1  }
0xb4: {  	[sflag:s29] =	ssyncadd.s32 $0xFFFFFFFF  }
0xb5: {  	_ =	strace $0x90000048  }
0xb6: {  	_ =	sfence  }
0xb7: {  	s30 =	sld [smem:$0x0];
	_ =	sdelay $0x2  }
0xb8: {  	s31 =	sshll.u32 s1, $0xD;
	s1 =	sshrl.u32 s1, $0x2  }
0xb9: {  	s3 =	sand.u32 $0x4000, s31;
	s1 =	sadd.s32 s1, s30  }
0xba: {  	s0 =	sor.u32 s3, s0;
	s1 =	sshll.u32 s1, $0x11  }
0xbb: {  	s0 =	sor.u32 s1, s0  }
0xbc: {  	s0 =	sadd.s32 $0x8F2B, s0  }
0xbd: {  	[sflag:s0] =	ssyncadd.remote.s32 $0x1  }
0xbe: {  	_ =	sfence.sel $0xFFFF  }
0xbf: {  	[dreg:$0x0] =	wrdreg $0xFFFFFFFF;
	(pc) =	sbr.abs _section_cstart, $3  }
0xc0: {  	[dreg:$0x1] =	wrdreg $0xFFFFFFFF  }
0xc1: {  	_ =	task.clear_ibuf [dreg:s7], $0x2FFFF;
	_ =	strace $0x9FFFFFFF  }
0xc2: {  	(tm) =	ssettm $0x7FFFFFFF  }
0xc3: {  	_ =	shalt  }
tec
execute0_lowered:
.L_overlay_start_1:
0x0: {  	(tag) =	ssettag $0x1  }
0x1: {  	s1 =	srdreg.scid  }
0x2: {  	s0 =	stileid.u32;
	s4 =	rddreg [dreg:$0x0]  }
0x3: {  	s2 =	rddreg [dreg:$0x1];
	v11 =	vlaneseq.u32;
	s9 =	simm.s32 $0x5;
	s10 =	simm.s32 $0x80  }
0x4: {  	s11 =	simm.s32 $0x6400;
	s12 =	simm.s32 $0x6500;
	s13 =	simm.s32 $0x6480;
	v0 =	vmul.u32 $0x32, v11  }
0x5: {  	s14 =	simm.s32 $0xA500;
	s15 =	simm.s32 $0x1;
	s16 =	simm.s32 $0x400  }
0x6: {  	s17 =	simm.s32 $0x20000;
	s18 =	simm.s32 $0xE500;
	s19 =	simm.s32 $0x2;
	v11 =	vmul.u32 $0x80, v11;
	v1 =	vadd.s32 $0x320, v0;
	v2 =	vadd.s32 $0x640, v0  }
0x7: {  	s20 =	simm.s32 $0x4;
	s21 =	simm.s32 $0x10500;
	s22 =	simm.s32 $0x3;
	v3 =	vadd.s32 $0x960, v0;
	v4 =	vadd.s32 $0xC80, v0;
	v5 =	vadd.s32 $0xFA0, v0  }
0x8: {  	s23 =	simm.s32 $0x0;
	s1 =	sand.u32 $0x1, s1;
	s3 =	sshll.u32 s0, $0x1;
	v6 =	vadd.s32 $0x12C0, v0;
	v7 =	vadd.s32 $0x15E0, v0;
	v8 =	vadd.s32 $0x1900, v0  }
.Ltmp0:
0x9: {  	s5 =	sor.u32 s1, s3;
	s3 =	simm.s32 $0x0;
	v9 =	vadd.s32 $0x1C20, v0;
	v10 =	vadd.s32 $0x1F40, v0;
	v12 =	vadd.s32 $0x2260, v0;
	(pc) =	sbr.rel .LBB2_1-.Ltmp0, $4  }
0xa: {  	s1 =	ssub.s32 $0x2, s1;
	s6 =	smul.u32 $0xC80, s5;
	[smem:$0x7FF] =	sst s3;
	v13 =	vadd.s32 $0x2580, v0;
	v14 =	vadd.s32 $0x28A0, v0;
	v15 =	vadd.s32 $0x2BC0, v0  }
0xb: {  	s7 =	sshrl.u32 s1, $0x1;
	s5 =	sshll.u32 s5, $0x9;
	v16 =	vadd.s32 $0x2EE0, v0;
	v17 =	vor.u32 $0x800, v11;
	v18 =	vor.u32 $0x1000, v11;
	_ =	strace $0x80000047  }
0xc: {  	v19 =	vor.u32 $0x1800, v11;
	v20 =	vor.u32 $0x2000, v11;
	v21 =	vor.u32 $0x2800, v11;
	s1 =	ssub.s32 s1, s7;
	s7 =	sadd.s32 $0x80, s2;
	s6 =	sadd.s32 s6, s4  }
0xd: {  	v22 =	vor.u32 $0x3000, v11;
	v23 =	vor.u32 $0x3800, v11;
	s4 =	sadd.s32 $0xF5BA00, s4;
	s8 =	smax.u32 s1, $0x1;
	s6 =	sadd.s32 $0xF42A00, s6  }
.LBB2_12:
0xe: {  	s23 =	sadd.s32 $0x1, s23  }
0xf: {  	_ =	swait.ge [sflag:s22], $0x2000;
	p0 =	sne.s32 s23, s8  }
.Ltmp1:
0x10: {  	[sflag:s22] =	ssyncset.done $0x0;
	(pc) =	sbr.rel @!p0 .LBB2_13-.Ltmp1, $4  }
0x11: {  	[sflag:s22] =	ssyncadd.s32 $0xFFFFE000  }
0x12: {  	_ =	swait.ge [sflag:s20], $0x2000  }
0x13: {  	[sflag:s20] =	ssyncset.done $0x0  }
0x14: {  	[sflag:s20] =	ssyncadd.s32 $0xFFFFE000  }
.LBB2_1:
0x15: {  	[tilespmem:s3], [sflag:$0x5] =	stream.linear.gather [hbm4b:s6+s3], $0x6400, $0x38;
	[tilespmem:$0x12500] =	vst v63  }
0x16: {  	_ =	swait.ge [sflag:s9], $0x6400  }
0x17: {  	[sflag:s9] =	ssyncset.done $0x0  }
0x18: {  	[sflag:s9] =	ssyncadd.s32 $0xFFFF9C00  }
0x19: {  	v24 =	vld.idx.msk [tilespmem:v0+s3+$0x0], $0xffff;
	_ =	sdelay $0x4  }
0x1a: {  	[tilespmem:$0x6400] =	vst v24  }
0x1b: {  	v24 =	vld.idx.msk [tilespmem:v1+s3+$0x0], $0xffff;
	_ =	sdelay $0x4  }
0x1c: {  	[tilespmem:$0x6410] =	vst v24  }
0x1d: {  	v24 =	vld.idx.msk [tilespmem:v2+s3+$0x0], $0xffff;
	_ =	sdelay $0x4  }
0x1e: {  	[tilespmem:$0x6420] =	vst v24  }
0x1f: {  	v24 =	vld.idx.msk [tilespmem:v3+s3+$0x0], $0xffff;
	_ =	sdelay $0x4  }
0x20: {  	[tilespmem:$0x6430] =	vst v24  }
0x21: {  	v24 =	vld.idx.msk [tilespmem:v4+s3+$0x0], $0xffff;
	_ =	sdelay $0x4  }
0x22: {  	[tilespmem:$0x6440] =	vst v24  }
0x23: {  	v24 =	vld.idx.msk [tilespmem:v5+s3+$0x0], $0xffff;
	_ =	sdelay $0x4  }
0x24: {  	[tilespmem:$0x6450] =	vst v24  }
0x25: {  	v24 =	vld.idx.msk [tilespmem:v6+s3+$0x0], $0xffff;
	_ =	sdelay $0x4  }
0x26: {  	[tilespmem:$0x6460] =	vst v24  }
0x27: {  	v24 =	vld.idx.msk [tilespmem:v7+s3+$0x0], $0xffff;
	_ =	sdelay $0x4  }
0x28: {  	[tilespmem:$0x6470] =	vst v24  }
0x29: {  	[tilespmem:s12], [sflag:$0x1] =	stream.indirect.gather [hbm4b:s4+s10], $0x80, s11, s10, $0xb8;
	[tilespmem:$0x12500] =	vst v63  }
0x2a: {  	v24 =	vld.idx.msk [tilespmem:v8+s3+$0x0], $0xffff;
	_ =	sdelay $0x4  }
0x2b: {  	[tilespmem:$0x6480] =	vst v24  }
0x2c: {  	v24 =	vld.idx.msk [tilespmem:v9+s3+$0x0], $0xffff;
	_ =	sdelay $0x4  }
0x2d: {  	[tilespmem:$0x6490] =	vst v24  }
0x2e: {  	v24 =	vld.idx.msk [tilespmem:v10+s3+$0x0], $0xffff;
	_ =	sdelay $0x4  }
0x2f: {  	[tilespmem:$0x64A0] =	vst v24  }
0x30: {  	v24 =	vld.idx.msk [tilespmem:v12+s3+$0x0], $0xffff;
	_ =	sdelay $0x4  }
0x31: {  	[tilespmem:$0x64B0] =	vst v24  }
0x32: {  	v24 =	vld.idx.msk [tilespmem:v13+s3+$0x0], $0xffff;
	_ =	sdelay $0x4  }
0x33: {  	[tilespmem:$0x64C0] =	vst v24  }
0x34: {  	v24 =	vld.idx.msk [tilespmem:v14+s3+$0x0], $0xffff;
	_ =	sdelay $0x4  }
0x35: {  	[tilespmem:$0x64D0] =	vst v24  }
0x36: {  	v24 =	vld.idx.msk [tilespmem:v15+s3+$0x0], $0xffff;
	_ =	sdelay $0x4  }
0x37: {  	[tilespmem:$0x64E0] =	vst v24  }
0x38: {  	v24 =	vld.idx.msk [tilespmem:v16+s3+$0x0], $0xffff;
	_ =	sdelay $0x4  }
0x39: {  	s24 =	simm.s32 $0x0;
	[tilespmem:$0x64F0] =	vst v24  }
0x3a: {  	[tilespmem:s14], [sflag:$0x2] =	stream.indirect.gather [hbm4b:s4+s10], $0x80, s13, s10, $0xb8;
	[tilespmem:$0x12500] =	vst v63  }
.LBB2_2:
0x3b: {  	s1 =	simm.s32 $0x0;
	s25 =	simm.s32 $0x2;
	s26 =	simm.s32 $0x7  }
0x3c: {  	v24 =	vmov s1;
	s1 =	simm.s32 $0x1;
	v27 =	vmov s25;
	s25 =	simm.s32 $0x4;
	v28 =	vmov s26  }
0x3d: {  	v24 =	vand.u32 $0x78, v24;
	v26 =	vmov s1;
	s1 =	simm.s32 $0x3;
	v32 =	vmov s25  }
0x3e: {  	s25 =	simm.s32 $0x5;
	v28 =	vand.u32 $0x7F, v28;
	v24 =	vbroadcast v24, $0x0;
	v29 =	vmov s1  }
0x3f: {  	_ =	swait.ge [sflag:s15], $0x4000;
	v33 =	vmov s25;
	v26 =	vand.u32 $0x79, v26;
	v28 =	vbroadcast v28, $0x0  }
0x40: {  	p0 =	seq.s32 s24, $0x0;
	[sflag:s15] =	ssyncset.done $0x0;
	v31 =	vbroadcast v26, $0x0;
	v26 =	vand.u32 $0x7A, v27;
	v25 =	vor.u32 v11, v24  }
0x41: {  	[sflag:s15] =	ssyncadd.s32 $0xFFFFC000;
	s1 =	simm.s32 @!p0 $0x3;
	v30 =	vbroadcast v26, $0x0;
	v26 =	vand.u32 $0x7B, v29;
	v35 =	vor.u32 v11, v28  }
0x42: {  	_ =	swait.ge @!p0 [sflag:s1], $0x2000;
	v36 =	vor.u32 v11, v31;
	v29 =	vbroadcast v26, $0x0;
	v26 =	vand.u32 $0x7C, v32  }
0x43: {  	[sflag:s1] =	ssyncset.done @!p0 $0x0;
	v58 =	vor.u32 v11, v30;
	v27 =	vbroadcast v26, $0x0;
	v26 =	vand.u32 $0x7D, v33  }
0x44: {  	s26 =	simm.s32 $0x6;
	[sflag:s1] =	ssyncadd.s32 @!p0 $0xFFFFE000;
	v59 =	vor.u32 v11, v29;
	v26 =	vbroadcast v26, $0x0  }
0x45: {  	v34 =	vmov s26;
	v38 =	vor.u32 v11, v27;
	v37 =	vld.idx.msk [tilespmem:v25+s12+$0x0], $0xffff  }
0x46: {  	v34 =	vand.u32 $0x7E, v34;
	v60 =	vor.u32 v11, v26;
	v35 =	vld.idx.msk [tilespmem:v35+s12+$0x0], $0xffff  }
0x47: {  	v40 =	vor.u32 v17, v28;
	v25 =	vbroadcast v34, $0x0;
	v36 =	vld.idx.msk [tilespmem:v36+s12+$0x0], $0xffff  }
0x48: {  	v51 =	vor.u32 v17, v24;
	v32 =	vld.idx.msk [tilespmem:v58+s12+$0x0], $0xffff  }
0x49: {  	v39 =	vor.u32 v11, v25;
	v33 =	vld.idx.msk [tilespmem:v59+s12+$0x0], $0xffff  }
0x4a: {  	s26 =	simm.s32 $0xE700;
	v41 =	vor.u32 v17, v31;
	v38 =	vld.idx.msk [tilespmem:v38+s12+$0x0], $0xffff  }
0x4b: {  	v42 =	vor.u32 v17, v30;
	v34 =	vld.idx.msk [tilespmem:v60+s12+$0x0], $0xffff;
	[tilespmem:s26+$0x180] =	vst v35  }
0x4c: {  	v43 =	vor.u32 v17, v29;
	[tilespmem:s26+$0xFFFFFE00] =	vst v37;
	v62 =	vld.idx.msk [tilespmem:v40+s12+$0x0], $0xffff  }
0x4d: {  	v44 =	vor.u32 v17, v27;
	v37 =	vld.idx.msk [tilespmem:v51+s12+$0x0], $0xffff  }
0x4e: {  	v61 =	vor.u32 v17, v26;
	[tilespmem:s26+$0xFFFFFE80] =	vst v36;
	v39 =	vld.idx.msk [tilespmem:v39+s12+$0x0], $0xffff  }
0x4f: {  	v50 =	vor.u32 v18, v28;
	v63 =	vld.idx.msk [tilespmem:v41+s12+$0x0], $0xffff;
	[tilespmem:s26+$0xFFFFFF00] =	vst v32  }
0x50: {  	v59 =	vor.u32 v18, v24;
	v49 =	vld.idx.msk [tilespmem:v42+s12+$0x0], $0xffff;
	[tilespmem:s26+$0xFFFFFF80] =	vst v33  }
0x51: {  	v48 =	vor.u32 v17, v25;
	v43 =	vld.idx.msk [tilespmem:v43+s12+$0x0], $0xffff;
	[tilespmem:s26+$0x0] =	vst v38  }
0x52: {  	v52 =	vor.u32 v18, v31;
	v44 =	vld.idx.msk [tilespmem:v44+s12+$0x0], $0xffff;
	[tilespmem:s26+$0x80] =	vst v34  }
0x53: {  	v53 =	vor.u32 v18, v30;
	v35 =	vld.idx.msk [tilespmem:v61+s12+$0x0], $0xffff;
	[tilespmem:s26+$0x190] =	vst v62  }
0x54: {  	v54 =	vor.u32 v18, v29;
	[tilespmem:s26+$0xFFFFFE10] =	vst v37;
	v33 =	vld.idx.msk [tilespmem:v50+s12+$0x0], $0xffff  }
0x55: {  	v55 =	vor.u32 v18, v27;
	[tilespmem:s26+$0x100] =	vst v39;
	v50 =	vld.idx.msk [tilespmem:v59+s12+$0x0], $0xffff  }
0x56: {  	v56 =	vor.u32 v18, v26;
	[tilespmem:s26+$0xFFFFFE90] =	vst v63;
	v32 =	vld.idx.msk [tilespmem:v48+s12+$0x0], $0xffff  }
0x57: {  	v57 =	vor.u32 v19, v28;
	v38 =	vld.idx.msk [tilespmem:v52+s12+$0x0], $0xffff;
	[tilespmem:s26+$0xFFFFFF10] =	vst v49  }
0x58: {  	v58 =	vor.u32 v18, v25;
	v34 =	vld.idx.msk [tilespmem:v53+s12+$0x0], $0xffff;
	[tilespmem:s26+$0xFFFFFF90] =	vst v43  }
0x59: {  	v60 =	vor.u32 v19, v31;
	v39 =	vld.idx.msk [tilespmem:v54+s12+$0x0], $0xffff;
	[tilespmem:s26+$0x10] =	vst v44  }
0x5a: {  	v61 =	vor.u32 v19, v30;
	v36 =	vld.idx.msk [tilespmem:v55+s12+$0x0], $0xffff;
	[tilespmem:s26+$0x90] =	vst v35  }
0x5b: {  	v62 =	vor.u32 v19, v29;
	v40 =	vld.idx.msk [tilespmem:v56+s12+$0x0], $0xffff;
	[tilespmem:s26+$0x1A0] =	vst v33  }
0x5c: {  	v55 =	vor.u32 v19, v24;
	[tilespmem:s26+$0x110] =	vst v32;
	v63 =	vld.idx.msk [tilespmem:v57+s12+$0x0], $0xffff  }
0x5d: {  	v48 =	vor.u32 v19, v27;
	[tilespmem:s26+$0xFFFFFEA0] =	vst v38;
	v49 =	vld.idx.msk [tilespmem:v58+s12+$0x0], $0xffff  }
0x5e: {  	v53 =	vor.u32 v19, v26;
	v52 =	vld.idx.msk [tilespmem:v60+s12+$0x0], $0xffff;
	[tilespmem:s26+$0xFFFFFF20] =	vst v34  }
0x5f: {  	v51 =	vor.u32 v20, v28;
	v35 =	vld.idx.msk [tilespmem:v61+s12+$0x0], $0xffff;
	[tilespmem:s26+$0xFFFFFFA0] =	vst v39  }
0x60: {  	v54 =	vor.u32 v19, v25;
	[tilespmem:s26+$0xFFFFFE20] =	vst v50;
	v33 =	vld.idx.msk [tilespmem:v62+s12+$0x0], $0xffff  }
0x61: {  	v56 =	vor.u32 v20, v31;
	[tilespmem:s26+$0x20] =	vst v36;
	v42 =	vld.idx.msk [tilespmem:v55+s12+$0x0], $0xffff  }
0x62: {  	v57 =	vor.u32 v20, v30;
	v37 =	vld.idx.msk [tilespmem:v48+s12+$0x0], $0xffff;
	[tilespmem:s26+$0xA0] =	vst v40  }
0x63: {  	v58 =	vor.u32 v20, v29;
	[tilespmem:s26+$0x1B0] =	vst v63;
	v34 =	vld.idx.msk [tilespmem:v53+s12+$0x0], $0xffff  }
0x64: {  	v60 =	vor.u32 v20, v27;
	v38 =	vld.idx.msk [tilespmem:v51+s12+$0x0], $0xffff;
	[tilespmem:s26+$0x120] =	vst v49  }
0x65: {  	v63 =	vor.u32 v20, v24;
	[tilespmem:s26+$0xFFFFFEB0] =	vst v52;
	v39 =	vld.idx.msk [tilespmem:v54+s12+$0x0], $0xffff  }
0x66: {  	v59 =	vor.u32 v21, v28;
	v36 =	vld.idx.msk [tilespmem:v56+s12+$0x0], $0xffff;
	[tilespmem:s26+$0xFFFFFF30] =	vst v35  }
0x67: {  	v61 =	vor.u32 v20, v26;
	v32 =	vld.idx.msk [tilespmem:v57+s12+$0x0], $0xffff;
	[tilespmem:s26+$0xFFFFFFB0] =	vst v33  }
0x68: {  	v62 =	vor.u32 v20, v25;
	v40 =	vld.idx.msk [tilespmem:v58+s12+$0x0], $0xffff;
	[tilespmem:s26+$0x30] =	vst v37  }
0x69: {  	v48 =	vor.u32 v21, v31;
	[tilespmem:s26+$0xFFFFFE30] =	vst v42;
	v43 =	vld.idx.msk [tilespmem:v60+s12+$0x0], $0xffff  }
0x6a: {  	v50 =	vor.u32 v21, v30;
	v42 =	vld.idx.msk [tilespmem:v63+s12+$0x0], $0xffff;
	[tilespmem:s26+$0x1C0] =	vst v38  }
0x6b: {  	v52 =	vor.u32 v21, v29;
	[tilespmem:s26+$0xB0] =	vst v34;
	v49 =	vld.idx.msk [tilespmem:v59+s12+$0x0], $0xffff  }
0x6c: {  	v51 =	vor.u32 v22, v28;
	v34 =	vld.idx.msk [tilespmem:v61+s12+$0x0], $0xffff;
	[tilespmem:s26+$0x130] =	vst v39  }
0x6d: {  	v53 =	vor.u32 v21, v27;
	[tilespmem:s26+$0xFFFFFEC0] =	vst v36;
	v33 =	vld.idx.msk [tilespmem:v62+s12+$0x0], $0xffff  }
0x6e: {  	v56 =	vor.u32 v21, v24;
	v38 =	vld.idx.msk [tilespmem:v48+s12+$0x0], $0xffff;
	[tilespmem:s26+$0xFFFFFF40] =	vst v32  }
0x6f: {  	v54 =	vor.u32 v21, v26;
	v41 =	vld.idx.msk [tilespmem:v50+s12+$0x0], $0xffff;
	[tilespmem:s26+$0xFFFFFFC0] =	vst v40  }
0x70: {  	v55 =	vor.u32 v21, v25;
	v39 =	vld.idx.msk [tilespmem:v52+s12+$0x0], $0xffff;
	[tilespmem:s26+$0x1D0] =	vst v49  }
0x71: {  	v57 =	vor.u32 v22, v31;
	[tilespmem:s26+$0x40] =	vst v43;
	v35 =	vld.idx.msk [tilespmem:v51+s12+$0x0], $0xffff  }
0x72: {  	v28 =	vor.u32 v23, v28;
	[tilespmem:s26+$0xFFFFFE40] =	vst v42;
	v43 =	vld.idx.msk [tilespmem:v53+s12+$0x0], $0xffff  }
0x73: {  	v58 =	vor.u32 v22, v30;
	[tilespmem:s26+$0xC0] =	vst v34;
	v47 =	vld.idx.msk [tilespmem:v56+s12+$0x0], $0xffff  }
0x74: {  	s28 =	simm.s32 $0x8;
	v59 =	vor.u32 v22, v29;
	v45 =	vld.idx.msk [tilespmem:v54+s12+$0x0], $0xffff;
	[tilespmem:s26+$0x140] =	vst v33  }
0x75: {  	v60 =	vor.u32 v22, v27;
	v61 =	vmov s28;
	[tilespmem:s26+$0xFFFFFED0] =	vst v38;
	v46 =	vld.idx.msk [tilespmem:v55+s12+$0x0], $0xffff  }
0x76: {  	v63 =	vand.u32 $0x78, v61;
	v62 =	vor.u32 v22, v26;
	v33 =	vld.idx.msk [tilespmem:v57+s12+$0x0], $0xffff;
	[tilespmem:s26+$0x1E0] =	vst v35  }
0x77: {  	v48 =	vor.u32 v22, v25;
	[tilespmem:s26+$0xFFFFFF50] =	vst v41;
	v42 =	vld.idx.msk [tilespmem:v28+s12+$0x0], $0xffff;
	v28 =	vbroadcast v63, $0x0  }
0x78: {  	v44 =	vor.u32 v22, v24;
	v36 =	vld.idx.msk [tilespmem:v58+s12+$0x0], $0xffff;
	[tilespmem:s26+$0xFFFFFFD0] =	vst v39  }
0x79: {  	v34 =	vld.idx.msk [tilespmem:v59+s12+$0x0], $0xffff;
	[tilespmem:s26+$0x50] =	vst v43;
	v32 =	vor.u32 v11, v28  }
0x7a: {  	s29 =	simm.s32 $0xA;
	s1 =	simm.s32 $0x9;
	v40 =	vor.u32 v23, v31;
	[tilespmem:s26+$0xD0] =	vst v45;
	v35 =	vld.idx.msk [tilespmem:v60+s12+$0x0], $0xffff  }
0x7b: {  	s31 =	simm.s32 $0xD;
	v30 =	vor.u32 v23, v30;
	v31 =	vmov s1;
	s1 =	simm.s32 $0xB;
	v41 =	vmov s29;
	s29 =	simm.s32 $0xC;
	v37 =	vld.idx.msk [tilespmem:v62+s12+$0x0], $0xffff;
	[tilespmem:s26+$0x150] =	vst v46  }
0x7c: {  	s30 =	simm.s32 $0xF;
	s25 =	sshll.u32 s24, $0x1;
	v29 =	vor.u32 v23, v29;
	v38 =	vmov s29;
	s29 =	simm.s32 $0x10;
	v43 =	vmov s1;
	[tilespmem:s26+$0xFFFFFE50] =	vst v47;
	v39 =	vld.idx.msk [tilespmem:v48+s12+$0x0], $0xffff  }
.LBB2_3:
0x7d: {  	p1 =	slt.u32 s29, $0x38;
	v45 =	vmov s31;
	s1 =	sadd.s32 $0x6, s28;
	v46 =	vmov s30;
	v44 =	vld.idx.msk [tilespmem:v44+s12+$0x0], $0xffff;
	v27 =	vor.u32 v23, v27;
	[tilespmem:s26+$0x1F0] =	vst v42;
	s28 =	smov.u32 s29  }
0x7e: {  	v26 =	vor.u32 v23, v26;
	v42 =	vld.idx.msk [tilespmem:v32+s12+$0x0], $0xffff;
	v47 =	vmov s1;
	v32 =	vand.u32 $0x7F, v46;
	[tilespmem:s26+$0xFFFFFEE0] =	vst v33  }
0x7f: {  	v31 =	vand.u32 $0x79, v31;
	v25 =	vor.u32 v23, v25;
	v32 =	vbroadcast v32, $0x0;
	v33 =	vld.idx.msk [tilespmem:v40+s12+$0x0], $0xffff;
	[tilespmem:s26+$0xFFFFFF60] =	vst v36  }
0x80: {  	v31 =	vbroadcast v31, $0x0;
	v36 =	vand.u32 $0x7A, v41;
	v40 =	vor.u32 v23, v24;
	v24 =	vmovc v28;
	v41 =	vld.idx.msk [tilespmem:v30+s12+$0x0], $0xffff;
	[tilespmem:s26+$0xFFFFFFE0] =	vst v34  }
0x81: {  	v28 =	vand.u32 $0x7B, v43;
	v30 =	vbroadcast v36, $0x0;
	v34 =	vor.u32 v11, v32;
	v36 =	vld.idx.msk [tilespmem:v29+s12+$0x0], $0xffff;
	[tilespmem:s26+$0x60] =	vst v35  }
0x82: {  	v35 =	vor.u32 v11, v31;
	v29 =	vbroadcast v28, $0x0;
	v28 =	vand.u32 $0x7C, v38;
	v38 =	vld.idx.msk [tilespmem:v27+s12+$0x0], $0xffff;
	[tilespmem:s26+$0xE0] =	vst v37  }
0x83: {  	v37 =	vor.u32 v11, v30;
	v27 =	vbroadcast v28, $0x0;
	v28 =	vand.u32 $0x7D, v45;
	v43 =	vld.idx.msk [tilespmem:v26+s12+$0x0], $0xffff;
	[tilespmem:s26+$0x160] =	vst v39  }
0x84: {  	v39 =	vor.u32 v11, v29;
	v26 =	vbroadcast v28, $0x0;
	v28 =	vand.u32 $0x7E, v47;
	[tilespmem:s26+$0xFFFFFE60] =	vst v44;
	v44 =	vld.idx.msk [tilespmem:v25+s12+$0x0], $0xffff  }
0x85: {  	v45 =	vor.u32 v11, v27;
	v25 =	vbroadcast v28, $0x0;
	v28 =	vld.idx.msk [tilespmem:v40+s12+$0x0], $0xffff;
	[tilespmem:s26+$0xFFFFFEF0] =	vst v33  }
0x86: {  	v33 =	vor.u32 v11, v26;
	v34 =	vld.idx.msk [tilespmem:v34+s12+$0x0], $0xffff;
	[tilespmem:s26+$0xFFFFFF70] =	vst v41  }
0x87: {  	v40 =	vor.u32 v11, v25;
	v35 =	vld.idx.msk [tilespmem:v35+s12+$0x0], $0xffff;
	[tilespmem:s26+$0xFFFFFFF0] =	vst v36  }
0x88: {  	v36 =	vld.idx.msk [tilespmem:v37+s12+$0x0], $0xffff;
	v37 =	vor.u32 v17, v32;
	[tilespmem:s26+$0x70] =	vst v38  }
0x89: {  	v38 =	vor.u32 v17, v31;
	v39 =	vld.idx.msk [tilespmem:v39+s12+$0x0], $0xffff;
	[tilespmem:s26+$0xF0] =	vst v43  }
0x8a: {  	v41 =	vor.u32 v17, v30;
	v43 =	vld.idx.msk [tilespmem:v45+s12+$0x0], $0xffff;
	[tilespmem:s26+$0x170] =	vst v44  }
0x8b: {  	v44 =	vor.u32 v17, v29;
	v33 =	vld.idx.msk [tilespmem:v33+s12+$0x0], $0xffff;
	[tilespmem:s26+$0xFFFFFE70] =	vst v28;
	s26 =	sadd.s32 $0x400, s26  }
0x8c: {  	v28 =	vor.u32 v17, v27;
	v40 =	vld.idx.msk [tilespmem:v40+s12+$0x0], $0xffff;
	[tilespmem:s26+$0x180] =	vst v34  }
0x8d: {  	v34 =	vor.u32 v17, v26;
	[tilespmem:s26+$0xFFFFFE80] =	vst v35;
	v35 =	vld.idx.msk [tilespmem:v37+s12+$0x0], $0xffff  }
0x8e: {  	v37 =	vld.idx.msk [tilespmem:v38+s12+$0x0], $0xffff;
	[tilespmem:s26+$0xFFFFFF00] =	vst v36;
	v36 =	vor.u32 v17, v25  }
0x8f: {  	v38 =	vld.idx.msk [tilespmem:v41+s12+$0x0], $0xffff;
	[tilespmem:s26+$0xFFFFFF80] =	vst v39;
	v39 =	vor.u32 v18, v32  }
0x90: {  	v41 =	vor.u32 v17, v24;
	v44 =	vld.idx.msk [tilespmem:v44+s12+$0x0], $0xffff;
	[tilespmem:s26+$0x0] =	vst v43  }
0x91: {  	v43 =	vor.u32 v18, v31;
	v28 =	vld.idx.msk [tilespmem:v28+s12+$0x0], $0xffff;
	[tilespmem:s26+$0x80] =	vst v33  }
0x92: {  	v33 =	vor.u32 v18, v30;
	v34 =	vld.idx.msk [tilespmem:v34+s12+$0x0], $0xffff;
	[tilespmem:s26+$0x100] =	vst v40  }
0x93: {  	v40 =	vor.u32 v18, v29;
	v36 =	vld.idx.msk [tilespmem:v36+s12+$0x0], $0xffff;
	[tilespmem:s26+$0x190] =	vst v35  }
0x94: {  	v35 =	vor.u32 v18, v27;
	[tilespmem:s26+$0xFFFFFE00] =	vst v42;
	v39 =	vld.idx.msk [tilespmem:v39+s12+$0x0], $0xffff  }
0x95: {  	v41 =	vld.idx.msk [tilespmem:v41+s12+$0x0], $0xffff;
	[tilespmem:s26+$0xFFFFFE90] =	vst v37;
	v37 =	vor.u32 v18, v26  }
0x96: {  	v42 =	vld.idx.msk [tilespmem:v43+s12+$0x0], $0xffff;
	[tilespmem:s26+$0xFFFFFF10] =	vst v38;
	v38 =	vor.u32 v19, v32  }
0x97: {  	v43 =	vor.u32 v18, v25;
	v33 =	vld.idx.msk [tilespmem:v33+s12+$0x0], $0xffff;
	[tilespmem:s26+$0xFFFFFF90] =	vst v44  }
0x98: {  	v44 =	vor.u32 v18, v24;
	v40 =	vld.idx.msk [tilespmem:v40+s12+$0x0], $0xffff;
	[tilespmem:s26+$0x10] =	vst v28  }
0x99: {  	v28 =	vor.u32 v19, v31;
	v35 =	vld.idx.msk [tilespmem:v35+s12+$0x0], $0xffff;
	[tilespmem:s26+$0x90] =	vst v34  }
0x9a: {  	v34 =	vor.u32 v19, v30;
	v37 =	vld.idx.msk [tilespmem:v37+s12+$0x0], $0xffff;
	[tilespmem:s26+$0x1A0] =	vst v39  }
0x9b: {  	v39 =	vor.u32 v19, v29;
	[tilespmem:s26+$0x110] =	vst v36;
	v36 =	vld.idx.msk [tilespmem:v38+s12+$0x0], $0xffff  }
0x9c: {  	v38 =	vor.u32 v19, v27;
	[tilespmem:s26+$0xFFFFFE10] =	vst v41;
	v41 =	vld.idx.msk [tilespmem:v43+s12+$0x0], $0xffff  }
0x9d: {  	v43 =	vld.idx.msk [tilespmem:v44+s12+$0x0], $0xffff;
	[tilespmem:s26+$0xFFFFFEA0] =	vst v42;
	v42 =	vor.u32 v20, v32  }
0x9e: {  	v28 =	vld.idx.msk [tilespmem:v28+s12+$0x0], $0xffff;
	[tilespmem:s26+$0xFFFFFF20] =	vst v33;
	v33 =	vor.u32 v19, v26  }
0x9f: {  	v34 =	vld.idx.msk [tilespmem:v34+s12+$0x0], $0xffff;
	[tilespmem:s26+$0xFFFFFFA0] =	vst v40;
	v40 =	vor.u32 v19, v25  }
0xa0: {  	v44 =	vor.u32 v19, v24;
	v39 =	vld.idx.msk [tilespmem:v39+s12+$0x0], $0xffff;
	[tilespmem:s26+$0x20] =	vst v35  }
0xa1: {  	v35 =	vor.u32 v20, v31;
	v38 =	vld.idx.msk [tilespmem:v38+s12+$0x0], $0xffff;
	[tilespmem:s26+$0x1B0] =	vst v36  }
0xa2: {  	v36 =	vor.u32 v20, v30;
	[tilespmem:s26+$0xA0] =	vst v37;
	v37 =	vld.idx.msk [tilespmem:v42+s12+$0x0], $0xffff  }
0xa3: {  	v42 =	vor.u32 v20, v29;
	v33 =	vld.idx.msk [tilespmem:v33+s12+$0x0], $0xffff;
	[tilespmem:s26+$0x120] =	vst v41  }
0xa4: {  	v41 =	vor.u32 v21, v32;
	[tilespmem:s26+$0xFFFFFE20] =	vst v43;
	v40 =	vld.idx.msk [tilespmem:v40+s12+$0x0], $0xffff  }
0xa5: {  	v43 =	vld.idx.msk [tilespmem:v44+s12+$0x0], $0xffff;
	[tilespmem:s26+$0xFFFFFEB0] =	vst v28;
	v28 =	vor.u32 v20, v27  }
0xa6: {  	v35 =	vld.idx.msk [tilespmem:v35+s12+$0x0], $0xffff;
	[tilespmem:s26+$0xFFFFFF30] =	vst v34;
	v34 =	vor.u32 v20, v26  }
0xa7: {  	v36 =	vld.idx.msk [tilespmem:v36+s12+$0x0], $0xffff;
	[tilespmem:s26+$0xFFFFFFB0] =	vst v39;
	v39 =	vor.u32 v20, v25  }
0xa8: {  	v44 =	vor.u32 v20, v24;
	v42 =	vld.idx.msk [tilespmem:v42+s12+$0x0], $0xffff;
	[tilespmem:s26+$0x1C0] =	vst v37  }
0xa9: {  	v37 =	vor.u32 v21, v31;
	[tilespmem:s26+$0x30] =	vst v38;
	v38 =	vld.idx.msk [tilespmem:v41+s12+$0x0], $0xffff  }
0xaa: {  	v41 =	vor.u32 v21, v30;
	v28 =	vld.idx.msk [tilespmem:v28+s12+$0x0], $0xffff;
	[tilespmem:s26+$0xB0] =	vst v33  }
0xab: {  	v33 =	vld.idx.msk [tilespmem:v34+s12+$0x0], $0xffff;
	[tilespmem:s26+$0x130] =	vst v40;
	v34 =	vor.u32 v22, v32  }
0xac: {  	v40 =	vor.u32 v21, v29;
	[tilespmem:s26+$0xFFFFFE30] =	vst v43;
	v39 =	vld.idx.msk [tilespmem:v39+s12+$0x0], $0xffff  }
0xad: {  	v43 =	vld.idx.msk [tilespmem:v44+s12+$0x0], $0xffff;
	[tilespmem:s26+$0xFFFFFEC0] =	vst v35;
	v35 =	vor.u32 v21, v27  }
0xae: {  	v37 =	vld.idx.msk [tilespmem:v37+s12+$0x0], $0xffff;
	[tilespmem:s26+$0xFFFFFF40] =	vst v36;
	v36 =	vor.u32 v21, v26  }
0xaf: {  	v44 =	vor.u32 v21, v25;
	v41 =	vld.idx.msk [tilespmem:v41+s12+$0x0], $0xffff;
	[tilespmem:s26+$0x1D0] =	vst v38  }
0xb0: {  	v38 =	vor.u32 v21, v24;
	[tilespmem:s26+$0xFFFFFFC0] =	vst v42;
	v34 =	vld.idx.msk [tilespmem:v34+s12+$0x0], $0xffff  }
0xb1: {  	v42 =	vor.u32 v22, v31;
	v40 =	vld.idx.msk [tilespmem:v40+s12+$0x0], $0xffff;
	[tilespmem:s26+$0x40] =	vst v28  }
0xb2: {  	v32 =	vor.u32 v23, v32;
	v35 =	vld.idx.msk [tilespmem:v35+s12+$0x0], $0xffff;
	[tilespmem:s26+$0xC0] =	vst v33  }
0xb3: {  	v45 =	vor.u32 v22, v30;
	v46 =	vld.idx.msk [tilespmem:v36+s12+$0x0], $0xffff;
	[tilespmem:s26+$0x140] =	vst v39  }
0xb4: {  	v39 =	vor.u32 v22, v29;
	[tilespmem:s26+$0xFFFFFE40] =	vst v43;
	v43 =	vld.idx.msk [tilespmem:v44+s12+$0x0], $0xffff  }
0xb5: {  	v28 =	vmov s29;
	v47 =	vld.idx.msk [tilespmem:v38+s12+$0x0], $0xffff;
	[tilespmem:s26+$0xFFFFFED0] =	vst v37;
	v37 =	vor.u32 v22, v27  }
0xb6: {  	v28 =	vand.u32 $0x78, v28;
	v38 =	vor.u32 v22, v26;
	v33 =	vld.idx.msk [tilespmem:v42+s12+$0x0], $0xffff;
	[tilespmem:s26+$0x1E0] =	vst v34  }
0xb7: {  	v48 =	vor.u32 v22, v25;
	v28 =	vbroadcast v28, $0x0;
	[tilespmem:s26+$0xFFFFFF50] =	vst v41;
	v42 =	vld.idx.msk [tilespmem:v32+s12+$0x0], $0xffff  }
.Ltmp2:
0xb8: {  	v44 =	vor.u32 v22, v24;
	v36 =	vld.idx.msk [tilespmem:v45+s12+$0x0], $0xffff;
	[tilespmem:s26+$0xFFFFFFD0] =	vst v40;
	(pc) =	sbr.rel @p1 .LBB2_3-.Ltmp2, $4  }
0xb9: {  	v32 =	vor.u32 v11, v28;
	v34 =	vld.idx.msk [tilespmem:v39+s12+$0x0], $0xffff;
	[tilespmem:s26+$0x50] =	vst v35  }
0xba: {  	s30 =	sadd.s32 $0x2, s29;
	s1 =	sadd.s32 $0x1, s29;
	v40 =	vor.u32 v23, v31;
	v35 =	vld.idx.msk [tilespmem:v37+s12+$0x0], $0xffff;
	[tilespmem:s26+$0xD0] =	vst v46  }
0xbb: {  	v30 =	vor.u32 v23, v30;
	v41 =	vmov s30;
	s30 =	sadd.s32 $0x4, s29;
	v31 =	vmov s1;
	s1 =	sadd.s32 $0x3, s29;
	v37 =	vld.idx.msk [tilespmem:v38+s12+$0x0], $0xffff;
	[tilespmem:s26+$0x150] =	vst v43  }
0xbc: {  	s31 =	sadd.s32 $0x5, s28;
	v29 =	vor.u32 v23, v29;
	s29 =	sadd.s32 $0x8, s29;
	v43 =	vmov s1;
	v38 =	vmov s30;
	s30 =	sadd.s32 $0x7, s28;
	[tilespmem:s26+$0xFFFFFE50] =	vst v47;
	v39 =	vld.idx.msk [tilespmem:v48+s12+$0x0], $0xffff  }
0xbd: {  	_ =	sdelay $0x1  }
0xbe: {  	[tilespmem:s26+$0x1F0] =	vst v42  }
0xbf: {  	[tilespmem:s26+$0xFFFFFEE0] =	vst v33  }
0xc0: {  	v51 =	vmov s31;
	v45 =	vmov s30;
	v27 =	vor.u32 v23, v27;
	v52 =	vld.idx.msk [tilespmem:v44+s12+$0x0], $0xffff;
	[tilespmem:s26+$0xFFFFFF60] =	vst v36  }
0xc1: {  	v46 =	vor.u32 v23, v26;
	v54 =	vand.u32 $0x79, v31;
	v56 =	vor.u32 v23, v25;
	v32 =	vld.idx.msk [tilespmem:v32+s12+$0x0], $0xffff;
	[tilespmem:s26+$0xFFFFFFE0] =	vst v34  }
0xc2: {  	s1 =	sadd.s32 $0x6, s28;
	v57 =	vand.u32 $0x7A, v41;
	v58 =	vor.u32 v23, v24;
	v55 =	vld.idx.msk [tilespmem:v40+s12+$0x0], $0xffff;
	v25 =	vbroadcast v54, $0x0;
	[tilespmem:s26+$0x60] =	vst v35  }
0xc3: {  	v60 =	vand.u32 $0x7B, v43;
	v53 =	vmov s1;
	v59 =	vld.idx.msk [tilespmem:v30+s12+$0x0], $0xffff;
	v24 =	vbroadcast v57, $0x0;
	[tilespmem:s26+$0xE0] =	vst v37  }
0xc4: {  	v45 =	vand.u32 $0x7F, v45;
	v26 =	vbroadcast v60, $0x0;
	v62 =	vld.idx.msk [tilespmem:v29+s12+$0x0], $0xffff;
	v63 =	vor.u32 v11, v25;
	[tilespmem:s26+$0x160] =	vst v39  }
0xc5: {  	s29 =	sadd.s32 $0x400, s26;
	v49 =	vand.u32 $0x7D, v51;
	v31 =	vbroadcast v45, $0x0;
	v48 =	vor.u32 v11, v24;
	v47 =	vld.idx.msk [tilespmem:v27+s12+$0x0], $0xffff;
	[tilespmem:s26+$0xFFFFFE60] =	vst v52  }
0xc6: {  	v45 =	vand.u32 $0x7C, v38;
	v29 =	vbroadcast v49, $0x0;
	v51 =	vor.u32 v11, v26;
	v50 =	vld.idx.msk [tilespmem:v46+s12+$0x0], $0xffff;
	[tilespmem:s29+$0xFFFFFE00] =	vst v32  }
0xc7: {  	v61 =	vor.u32 v11, v31;
	v27 =	vbroadcast v45, $0x0;
	v52 =	vand.u32 $0x7E, v53;
	v40 =	vld.idx.msk [tilespmem:v56+s12+$0x0], $0xffff;
	[tilespmem:s26+$0xFFFFFEF0] =	vst v55  }
0xc8: {  	v54 =	vor.u32 v11, v29;
	v30 =	vbroadcast v52, $0x0;
	v34 =	vld.idx.msk [tilespmem:v58+s12+$0x0], $0xffff;
	[tilespmem:s26+$0xFFFFFF70] =	vst v59  }
0xc9: {  	v53 =	vor.u32 v11, v27;
	[tilespmem:s26+$0xFFFFFFF0] =	vst v62;
	v37 =	vld.idx.msk [tilespmem:v63+s12+$0x0], $0xffff  }
0xca: {  	v55 =	vor.u32 v11, v30;
	v56 =	vld.idx.msk [tilespmem:v48+s12+$0x0], $0xffff;
	[tilespmem:s26+$0x70] =	vst v47  }
0xcb: {  	v33 =	vld.idx.msk [tilespmem:v51+s12+$0x0], $0xffff;
	v48 =	vor.u32 v17, v28;
	[tilespmem:s26+$0xF0] =	vst v50  }
0xcc: {  	v58 =	vor.u32 v17, v25;
	v35 =	vld.idx.msk [tilespmem:v61+s12+$0x0], $0xffff;
	[tilespmem:s26+$0x170] =	vst v40  }
0xcd: {  	v59 =	vor.u32 v17, v24;
	v41 =	vld.idx.msk [tilespmem:v54+s12+$0x0], $0xffff;
	[tilespmem:s26+$0xFFFFFE70] =	vst v34  }
0xce: {  	v60 =	vor.u32 v17, v26;
	v36 =	vld.idx.msk [tilespmem:v53+s12+$0x0], $0xffff;
	[tilespmem:s29+$0xFFFFFE80] =	vst v37  }
0xcf: {  	v57 =	vor.u32 v17, v31;
	v61 =	vld.idx.msk [tilespmem:v55+s12+$0x0], $0xffff;
	[tilespmem:s29+$0xFFFFFF00] =	vst v56  }
0xd0: {  	v63 =	vor.u32 v17, v29;
	[tilespmem:s29+$0xFFFFFF80] =	vst v33;
	v54 =	vld.idx.msk [tilespmem:v48+s12+$0x0], $0xffff  }
0xd1: {  	v62 =	vor.u32 v17, v27;
	[tilespmem:s29+$0x180] =	vst v35;
	v45 =	vld.idx.msk [tilespmem:v58+s12+$0x0], $0xffff  }
0xd2: {  	v47 =	vor.u32 v17, v30;
	v34 =	vld.idx.msk [tilespmem:v59+s12+$0x0], $0xffff;
	[tilespmem:s29+$0x80] =	vst v41  }
0xd3: {  	v49 =	vor.u32 v18, v25;
	v35 =	vld.idx.msk [tilespmem:v60+s12+$0x0], $0xffff;
	[tilespmem:s29+$0x0] =	vst v36  }
0xd4: {  	v50 =	vor.u32 v18, v24;
	v39 =	vld.idx.msk [tilespmem:v57+s12+$0x0], $0xffff;
	[tilespmem:s29+$0x100] =	vst v61  }
0xd5: {  	v51 =	vor.u32 v18, v26;
	v38 =	vld.idx.msk [tilespmem:v63+s12+$0x0], $0xffff;
	[tilespmem:s29+$0xFFFFFE10] =	vst v54  }
0xd6: {  	v59 =	vor.u32 v18, v28;
	v37 =	vld.idx.msk [tilespmem:v62+s12+$0x0], $0xffff;
	[tilespmem:s29+$0xFFFFFE90] =	vst v45  }
0xd7: {  	v46 =	vor.u32 v18, v31;
	v52 =	vld.idx.msk [tilespmem:v47+s12+$0x0], $0xffff;
	[tilespmem:s29+$0xFFFFFF10] =	vst v34  }
0xd8: {  	v56 =	vor.u32 v18, v29;
	[tilespmem:s29+$0xFFFFFF90] =	vst v35;
	v42 =	vld.idx.msk [tilespmem:v49+s12+$0x0], $0xffff  }
0xd9: {  	v53 =	vor.u32 v18, v27;
	[tilespmem:s29+$0x190] =	vst v39;
	v57 =	vld.idx.msk [tilespmem:v50+s12+$0x0], $0xffff  }
0xda: {  	v58 =	vor.u32 v18, v30;
	[tilespmem:s29+$0x90] =	vst v38;
	v32 =	vld.idx.msk [tilespmem:v51+s12+$0x0], $0xffff  }
0xdb: {  	v60 =	vor.u32 v19, v25;
	v38 =	vld.idx.msk [tilespmem:v59+s12+$0x0], $0xffff;
	[tilespmem:s29+$0x10] =	vst v37  }
0xdc: {  	v61 =	vor.u32 v19, v24;
	v40 =	vld.idx.msk [tilespmem:v46+s12+$0x0], $0xffff;
	[tilespmem:s29+$0x110] =	vst v52  }
0xdd: {  	v63 =	vor.u32 v19, v26;
	v62 =	vld.idx.msk [tilespmem:v56+s12+$0x0], $0xffff;
	[tilespmem:s29+$0xFFFFFEA0] =	vst v42  }
0xde: {  	v50 =	vor.u32 v19, v28;
	v36 =	vld.idx.msk [tilespmem:v53+s12+$0x0], $0xffff;
	[tilespmem:s29+$0xFFFFFF20] =	vst v57  }
0xdf: {  	v55 =	vor.u32 v19, v31;
	v39 =	vld.idx.msk [tilespmem:v58+s12+$0x0], $0xffff;
	[tilespmem:s29+$0xFFFFFFA0] =	vst v32  }
0xe0: {  	v48 =	vor.u32 v19, v29;
	[tilespmem:s29+$0xFFFFFE20] =	vst v38;
	v47 =	vld.idx.msk [tilespmem:v60+s12+$0x0], $0xffff  }
0xe1: {  	v46 =	vor.u32 v19, v27;
	[tilespmem:s29+$0x1A0] =	vst v40;
	v33 =	vld.idx.msk [tilespmem:v61+s12+$0x0], $0xffff  }
0xe2: {  	v49 =	vor.u32 v19, v30;
	v35 =	vld.idx.msk [tilespmem:v63+s12+$0x0], $0xffff;
	[tilespmem:s29+$0xA0] =	vst v62  }
0xe3: {  	v51 =	vor.u32 v20, v25;
	v56 =	vld.idx.msk [tilespmem:v50+s12+$0x0], $0xffff;
	[tilespmem:s29+$0x20] =	vst v36  }
0xe4: {  	v52 =	vor.u32 v20, v24;
	v41 =	vld.idx.msk [tilespmem:v55+s12+$0x0], $0xffff;
	[tilespmem:s29+$0x120] =	vst v39  }
0xe5: {  	v45 =	vor.u32 v20, v31;
	v53 =	vld.idx.msk [tilespmem:v48+s12+$0x0], $0xffff;
	[tilespmem:s29+$0xFFFFFEB0] =	vst v47  }
0xe6: {  	v55 =	vor.u32 v20, v26;
	v37 =	vld.idx.msk [tilespmem:v46+s12+$0x0], $0xffff;
	[tilespmem:s29+$0xFFFFFF30] =	vst v33  }
0xe7: {  	v58 =	vor.u32 v20, v29;
	v36 =	vld.idx.msk [tilespmem:v49+s12+$0x0], $0xffff;
	[tilespmem:s29+$0xFFFFFFB0] =	vst v35  }
0xe8: {  	v60 =	vor.u32 v20, v28;
	[tilespmem:s29+$0xFFFFFE30] =	vst v56;
	v34 =	vld.idx.msk [tilespmem:v51+s12+$0x0], $0xffff  }
0xe9: {  	v57 =	vor.u32 v20, v27;
	[tilespmem:s29+$0x1B0] =	vst v41;
	v39 =	vld.idx.msk [tilespmem:v52+s12+$0x0], $0xffff  }
0xea: {  	v59 =	vor.u32 v20, v30;
	[tilespmem:s29+$0xB0] =	vst v53;
	v42 =	vld.idx.msk [tilespmem:v45+s12+$0x0], $0xffff  }
0xeb: {  	v61 =	vor.u32 v21, v25;
	v32 =	vld.idx.msk [tilespmem:v55+s12+$0x0], $0xffff;
	[tilespmem:s29+$0x30] =	vst v37  }
0xec: {  	v54 =	vor.u32 v21, v31;
	v35 =	vld.idx.msk [tilespmem:v58+s12+$0x0], $0xffff;
	[tilespmem:s29+$0x130] =	vst v36  }
0xed: {  	v45 =	vor.u32 v21, v24;
	v37 =	vld.idx.msk [tilespmem:v60+s12+$0x0], $0xffff;
	[tilespmem:s29+$0xFFFFFEC0] =	vst v34  }
0xee: {  	v46 =	vor.u32 v21, v26;
	v62 =	vld.idx.msk [tilespmem:v57+s12+$0x0], $0xffff;
	[tilespmem:s29+$0xFFFFFF40] =	vst v39  }
0xef: {  	v50 =	vor.u32 v21, v28;
	[tilespmem:s29+$0x1C0] =	vst v42;
	v42 =	vld.idx.msk [tilespmem:v59+s12+$0x0], $0xffff  }
0xf0: {  	v47 =	vor.u32 v21, v27;
	[tilespmem:s29+$0xFFFFFFC0] =	vst v32;
	v38 =	vld.idx.msk [tilespmem:v61+s12+$0x0], $0xffff  }
0xf1: {  	v48 =	vor.u32 v21, v29;
	[tilespmem:s29+$0xC0] =	vst v35;
	v40 =	vld.idx.msk [tilespmem:v54+s12+$0x0], $0xffff  }
0xf2: {  	v49 =	vor.u32 v21, v30;
	v33 =	vld.idx.msk [tilespmem:v45+s12+$0x0], $0xffff;
	[tilespmem:s29+$0xFFFFFE40] =	vst v37  }
0xf3: {  	v51 =	vor.u32 v22, v25;
	v34 =	vld.idx.msk [tilespmem:v46+s12+$0x0], $0xffff;
	[tilespmem:s29+$0x40] =	vst v62  }
0xf4: {  	v52 =	vor.u32 v22, v24;
	v36 =	vld.idx.msk [tilespmem:v50+s12+$0x0], $0xffff;
	[tilespmem:s29+$0x140] =	vst v42  }
0xf5: {  	v53 =	vor.u32 v22, v26;
	v39 =	vld.idx.msk [tilespmem:v47+s12+$0x0], $0xffff;
	[tilespmem:s29+$0xFFFFFED0] =	vst v38  }
0xf6: {  	v63 =	vor.u32 v22, v31;
	[tilespmem:s29+$0x1D0] =	vst v40;
	v40 =	vld.idx.msk [tilespmem:v48+s12+$0x0], $0xffff  }
0xf7: {  	v58 =	vor.u32 v22, v28;
	[tilespmem:s29+$0xFFFFFF50] =	vst v33;
	v32 =	vld.idx.msk [tilespmem:v49+s12+$0x0], $0xffff  }
0xf8: {  	v54 =	vor.u32 v22, v27;
	[tilespmem:s29+$0xFFFFFFD0] =	vst v34;
	v56 =	vld.idx.msk [tilespmem:v51+s12+$0x0], $0xffff  }
0xf9: {  	v55 =	vor.u32 v22, v29;
	v37 =	vld.idx.msk [tilespmem:v52+s12+$0x0], $0xffff;
	[tilespmem:s29+$0xFFFFFE50] =	vst v36  }
0xfa: {  	v57 =	vor.u32 v22, v30;
	v38 =	vld.idx.msk [tilespmem:v53+s12+$0x0], $0xffff;
	[tilespmem:s29+$0x50] =	vst v39  }
0xfb: {  	v25 =	vor.u32 v23, v25;
	v41 =	vld.idx.msk [tilespmem:v63+s12+$0x0], $0xffff;
	[tilespmem:s29+$0xD0] =	vst v40  }
0xfc: {  	v24 =	vor.u32 v23, v24;
	v61 =	vld.idx.msk [tilespmem:v58+s12+$0x0], $0xffff;
	[tilespmem:s29+$0x150] =	vst v32  }
0xfd: {  	v26 =	vor.u32 v23, v26;
	v59 =	vld.idx.msk [tilespmem:v54+s12+$0x0], $0xffff;
	[tilespmem:s29+$0xFFFFFEE0] =	vst v56  }
0xfe: {  	v31 =	vor.u32 v23, v31;
	[tilespmem:s29+$0xFFFFFF60] =	vst v37;
	v33 =	vld.idx.msk [tilespmem:v55+s12+$0x0], $0xffff  }
0xff: {  	v62 =	vor.u32 v23, v28;
	[tilespmem:s29+$0xFFFFFFE0] =	vst v38;
	v60 =	vld.idx.msk [tilespmem:v57+s12+$0x0], $0xffff  }
0x100: {  	v27 =	vor.u32 v23, v27;
	[tilespmem:s29+$0x1E0] =	vst v41;
	v25 =	vld.idx.msk [tilespmem:v25+s12+$0x0], $0xffff  }
0x101: {  	v29 =	vor.u32 v23, v29;
	v24 =	vld.idx.msk [tilespmem:v24+s12+$0x0], $0xffff;
	[tilespmem:s29+$0xFFFFFE60] =	vst v61  }
0x102: {  	v30 =	vor.u32 v23, v30;
	v26 =	vld.idx.msk [tilespmem:v26+s12+$0x0], $0xffff;
	[tilespmem:s29+$0x60] =	vst v59  }
0x103: {  	v31 =	vld.idx.msk [tilespmem:v31+s12+$0x0], $0xffff;
	[tilespmem:s29+$0xE0] =	vst v33  }
0x104: {  	v63 =	vld.idx.msk [tilespmem:v62+s12+$0x0], $0xffff;
	[tilespmem:s29+$0x160] =	vst v60  }
0x105: {  	v27 =	vld.idx.msk [tilespmem:v27+s12+$0x0], $0xffff;
	[tilespmem:s29+$0xFFFFFEF0] =	vst v25  }
0x106: {  	[tilespmem:s29+$0xFFFFFF70] =	vst v24;
	v29 =	vld.idx.msk [tilespmem:v29+s12+$0x0], $0xffff  }
0x107: {  	[tilespmem:s29+$0xFFFFFFF0] =	vst v26;
	v30 =	vld.idx.msk [tilespmem:v30+s12+$0x0], $0xffff  }
0x108: {  	s30 =	sshll.u32 s24, $0x8;
	s31 =	sshll.u32 s24, $0x10;
	p1 =	sne.s32 s24, $0x63;
	[tilespmem:s29+$0x1F0] =	vst v31  }
.Ltmp3:
0x109: {  	s1 =	sand.u32 $0x100, s30;
	s26 =	sand.u32 $0x7E0000, s31;
	[tilespmem:s29+$0xFFFFFE70] =	vst v63;
	(pc) =	sbr.rel @p1 .LBB2_6-.Ltmp3, $4  }
0x10a: {  	s1 =	sor.u32 s26, s1;
	[tilespmem:s29+$0x70] =	vst v27  }
0x10b: {  	s26 =	sor.u32 s5, s1;
	[tilespmem:s29+$0xF0] =	vst v29  }
0x10c: {  	s1 =	sadd.s32 s2, s26;
	[tilespmem:s29+$0x170] =	vst v30  }
0x10d: {  	[hbm4b:s1+s16] =	stream.strided.scatter [tilespmem:s18], [sflag:$0x3], $0x2000, s17, s16, $0x38;
	[tilespmem:$0x12500] =	vst v63  }
.Ltmp4:
0x10e: {  	(pc) =	sbr.rel .LBB2_7-.Ltmp4, $4  }
0x10f: {  	_ = 	snop  }
0x110: {  	_ =	swait.ge [sflag:s19], $0x4000  }
0x111: {  	[sflag:s19] =	ssyncset.done $0x0  }
0x112: {  	[sflag:s19] =	ssyncadd.s32 $0xFFFFC000  }
.LBB2_6:
0x113: {  	s1 =	sadd.s32 $0x2, s25  }
0x114: {  	s28 =	sand.u32 $0x2, s1  }
0x115: {  	s28 =	smul.u32 $0x1900, s28  }
0x116: {  	s1 =	sshrl.u32 s1, $0x2  }
0x117: {  	s1 =	sadd.s32 s1, s28  }
0x118: {  	v24 =	vadd.s32 s1, v0;
	_ =	sdelay $0x4  }
0x119: {  	s28 =	sadd.s32 $0x320, s1;
	v24 =	vld.idx.msk [tilespmem:v24+s3+$0x0], $0xffff  }
0x11a: {  	v25 =	vadd.s32 s28, v0;
	_ =	sdelay $0x3  }
0x11b: {  	[tilespmem:$0x6400] =	vst v24  }
0x11c: {  	s30 =	sadd.s32 $0x640, s1;
	v24 =	vld.idx.msk [tilespmem:v25+s3+$0x0], $0xffff  }
0x11d: {  	v58 =	vadd.s32 s30, v0;
	_ =	sdelay $0x3  }
0x11e: {  	[tilespmem:$0x6410] =	vst v24  }
0x11f: {  	s31 =	sadd.s32 $0x960, s1;
	v24 =	vld.idx.msk [tilespmem:v58+s3+$0x0], $0xffff  }
0x120: {  	v59 =	vadd.s32 s31, v0;
	_ =	sdelay $0x3  }
0x121: {  	[tilespmem:$0x6420] =	vst v24  }
0x122: {  	s29 =	sadd.s32 $0xC80, s1;
	v24 =	vld.idx.msk [tilespmem:v59+s3+$0x0], $0xffff  }
0x123: {  	v60 =	vadd.s32 s29, v0;
	_ =	sdelay $0x3  }
0x124: {  	[tilespmem:$0x6430] =	vst v24  }
0x125: {  	s30 =	sadd.s32 $0xFA0, s1;
	v24 =	vld.idx.msk [tilespmem:v60+s3+$0x0], $0xffff  }
0x126: {  	v61 =	vadd.s32 s30, v0;
	_ =	sdelay $0x3  }
0x127: {  	[tilespmem:$0x6440] =	vst v24  }
0x128: {  	s31 =	sadd.s32 $0x12C0, s1;
	v24 =	vld.idx.msk [tilespmem:v61+s3+$0x0], $0xffff  }
0x129: {  	v62 =	vadd.s32 s31, v0;
	_ =	sdelay $0x3  }
0x12a: {  	[tilespmem:$0x6450] =	vst v24  }
0x12b: {  	s1 =	sadd.s32 $0x15E0, s1;
	v24 =	vld.idx.msk [tilespmem:v62+s3+$0x0], $0xffff  }
0x12c: {  	v63 =	vadd.s32 s1, v0;
	_ =	sdelay $0x3  }
0x12d: {  	[tilespmem:$0x6460] =	vst v24  }
0x12e: {  	v24 =	vld.idx.msk [tilespmem:v63+s3+$0x0], $0xffff;
	_ =	sdelay $0x4  }
.Ltmp5:
0x12f: {  	[tilespmem:$0x6470] =	vst v24;
	(pc) =	sbr.rel @p0 .LBB2_8-.Ltmp5, $4  }
0x130: {  	[tilespmem:s12], [sflag:$0x1] =	stream.indirect.gather [hbm4b:s4+s10], $0x80, s11, s10, $0xb8;
	[tilespmem:$0x12500] =	vst v63  }
0x131: {  	_ =	swait.ge [sflag:s19], $0x4000  }
0x132: {  	[sflag:s19] =	ssyncset.done $0x0  }
0x133: {  	[sflag:s19] =	ssyncadd.s32 $0xFFFFC000  }
.LBB2_7:
0x134: {  	_ =	swait.ge [sflag:s20], $0x2000  }
0x135: {  	[sflag:s20] =	ssyncset.done $0x0  }
0x136: {  	[sflag:s20] =	ssyncadd.s32 $0xFFFFE000  }
.LBB2_8:
0x137: {  	s1 =	simm.s32 $0x0;
	s28 =	simm.s32 $0x2;
	s29 =	simm.s32 $0x7  }
0x138: {  	v24 =	vmov s1;
	s1 =	simm.s32 $0x1;
	v27 =	vmov s28;
	s28 =	simm.s32 $0x4;
	v28 =	vmov s29  }
0x139: {  	v24 =	vand.u32 $0x78, v24;
	v26 =	vmov s1;
	s1 =	simm.s32 $0x3;
	v32 =	vmov s28  }
0x13a: {  	v28 =	vand.u32 $0x7F, v28;
	v24 =	vbroadcast v24, $0x0;
	v29 =	vmov s1;
	s1 =	simm.s32 $0x5  }
0x13b: {  	v26 =	vand.u32 $0x79, v26;
	v28 =	vbroadcast v28, $0x0;
	v33 =	vmov s1  }
0x13c: {  	v31 =	vbroadcast v26, $0x0;
	v26 =	vand.u32 $0x7A, v27;
	v25 =	vor.u32 v11, v24  }
0x13d: {  	v30 =	vbroadcast v26, $0x0;
	v26 =	vand.u32 $0x7B, v29;
	v35 =	vor.u32 v11, v28  }
0x13e: {  	v36 =	vor.u32 v11, v31;
	v29 =	vbroadcast v26, $0x0;
	v26 =	vand.u32 $0x7C, v32  }
0x13f: {  	v58 =	vor.u32 v11, v30;
	v27 =	vbroadcast v26, $0x0;
	v26 =	vand.u32 $0x7D, v33  }
0x140: {  	s1 =	simm.s32 $0x6;
	v59 =	vor.u32 v11, v29;
	v26 =	vbroadcast v26, $0x0  }
0x141: {  	v34 =	vmov s1;
	v38 =	vor.u32 v11, v27;
	v37 =	vld.idx.msk [tilespmem:v25+s14+$0x0], $0xffff  }
0x142: {  	v34 =	vand.u32 $0x7E, v34;
	v60 =	vor.u32 v11, v26;
	v35 =	vld.idx.msk [tilespmem:v35+s14+$0x0], $0xffff  }
0x143: {  	v40 =	vor.u32 v17, v28;
	v25 =	vbroadcast v34, $0x0;
	v36 =	vld.idx.msk [tilespmem:v36+s14+$0x0], $0xffff  }
0x144: {  	v51 =	vor.u32 v17, v24;
	v32 =	vld.idx.msk [tilespmem:v58+s14+$0x0], $0xffff  }
0x145: {  	v39 =	vor.u32 v11, v25;
	v33 =	vld.idx.msk [tilespmem:v59+s14+$0x0], $0xffff  }
0x146: {  	s28 =	simm.s32 $0x10700;
	v41 =	vor.u32 v17, v31;
	v38 =	vld.idx.msk [tilespmem:v38+s14+$0x0], $0xffff  }
0x147: {  	v42 =	vor.u32 v17, v30;
	v34 =	vld.idx.msk [tilespmem:v60+s14+$0x0], $0xffff;
	[tilespmem:s28+$0x180] =	vst v35  }
0x148: {  	v43 =	vor.u32 v17, v29;
	[tilespmem:s28+$0xFFFFFE00] =	vst v37;
	v62 =	vld.idx.msk [tilespmem:v40+s14+$0x0], $0xffff  }
0x149: {  	v44 =	vor.u32 v17, v27;
	v37 =	vld.idx.msk [tilespmem:v51+s14+$0x0], $0xffff  }
0x14a: {  	v61 =	vor.u32 v17, v26;
	[tilespmem:s28+$0xFFFFFE80] =	vst v36;
	v39 =	vld.idx.msk [tilespmem:v39+s14+$0x0], $0xffff  }
0x14b: {  	v50 =	vor.u32 v18, v28;
	v63 =	vld.idx.msk [tilespmem:v41+s14+$0x0], $0xffff;
	[tilespmem:s28+$0xFFFFFF00] =	vst v32  }
0x14c: {  	v59 =	vor.u32 v18, v24;
	v49 =	vld.idx.msk [tilespmem:v42+s14+$0x0], $0xffff;
	[tilespmem:s28+$0xFFFFFF80] =	vst v33  }
0x14d: {  	v48 =	vor.u32 v17, v25;
	v43 =	vld.idx.msk [tilespmem:v43+s14+$0x0], $0xffff;
	[tilespmem:s28+$0x0] =	vst v38  }
0x14e: {  	v52 =	vor.u32 v18, v31;
	v44 =	vld.idx.msk [tilespmem:v44+s14+$0x0], $0xffff;
	[tilespmem:s28+$0x80] =	vst v34  }
0x14f: {  	v53 =	vor.u32 v18, v30;
	v35 =	vld.idx.msk [tilespmem:v61+s14+$0x0], $0xffff;
	[tilespmem:s28+$0x190] =	vst v62  }
0x150: {  	v54 =	vor.u32 v18, v29;
	[tilespmem:s28+$0xFFFFFE10] =	vst v37;
	v33 =	vld.idx.msk [tilespmem:v50+s14+$0x0], $0xffff  }
0x151: {  	v55 =	vor.u32 v18, v27;
	[tilespmem:s28+$0x100] =	vst v39;
	v50 =	vld.idx.msk [tilespmem:v59+s14+$0x0], $0xffff  }
0x152: {  	v56 =	vor.u32 v18, v26;
	[tilespmem:s28+$0xFFFFFE90] =	vst v63;
	v32 =	vld.idx.msk [tilespmem:v48+s14+$0x0], $0xffff  }
0x153: {  	v57 =	vor.u32 v19, v28;
	v38 =	vld.idx.msk [tilespmem:v52+s14+$0x0], $0xffff;
	[tilespmem:s28+$0xFFFFFF10] =	vst v49  }
0x154: {  	v58 =	vor.u32 v18, v25;
	v34 =	vld.idx.msk [tilespmem:v53+s14+$0x0], $0xffff;
	[tilespmem:s28+$0xFFFFFF90] =	vst v43  }
0x155: {  	v60 =	vor.u32 v19, v31;
	v39 =	vld.idx.msk [tilespmem:v54+s14+$0x0], $0xffff;
	[tilespmem:s28+$0x10] =	vst v44  }
0x156: {  	v61 =	vor.u32 v19, v30;
	v36 =	vld.idx.msk [tilespmem:v55+s14+$0x0], $0xffff;
	[tilespmem:s28+$0x90] =	vst v35  }
0x157: {  	v62 =	vor.u32 v19, v29;
	v40 =	vld.idx.msk [tilespmem:v56+s14+$0x0], $0xffff;
	[tilespmem:s28+$0x1A0] =	vst v33  }
0x158: {  	v55 =	vor.u32 v19, v24;
	[tilespmem:s28+$0x110] =	vst v32;
	v63 =	vld.idx.msk [tilespmem:v57+s14+$0x0], $0xffff  }
0x159: {  	v48 =	vor.u32 v19, v27;
	[tilespmem:s28+$0xFFFFFEA0] =	vst v38;
	v49 =	vld.idx.msk [tilespmem:v58+s14+$0x0], $0xffff  }
0x15a: {  	v53 =	vor.u32 v19, v26;
	v52 =	vld.idx.msk [tilespmem:v60+s14+$0x0], $0xffff;
	[tilespmem:s28+$0xFFFFFF20] =	vst v34  }
0x15b: {  	v51 =	vor.u32 v20, v28;
	v35 =	vld.idx.msk [tilespmem:v61+s14+$0x0], $0xffff;
	[tilespmem:s28+$0xFFFFFFA0] =	vst v39  }
0x15c: {  	v54 =	vor.u32 v19, v25;
	[tilespmem:s28+$0xFFFFFE20] =	vst v50;
	v33 =	vld.idx.msk [tilespmem:v62+s14+$0x0], $0xffff  }
0x15d: {  	v56 =	vor.u32 v20, v31;
	[tilespmem:s28+$0x20] =	vst v36;
	v42 =	vld.idx.msk [tilespmem:v55+s14+$0x0], $0xffff  }
0x15e: {  	v57 =	vor.u32 v20, v30;
	v37 =	vld.idx.msk [tilespmem:v48+s14+$0x0], $0xffff;
	[tilespmem:s28+$0xA0] =	vst v40  }
0x15f: {  	v58 =	vor.u32 v20, v29;
	[tilespmem:s28+$0x1B0] =	vst v63;
	v34 =	vld.idx.msk [tilespmem:v53+s14+$0x0], $0xffff  }
0x160: {  	v60 =	vor.u32 v20, v27;
	v38 =	vld.idx.msk [tilespmem:v51+s14+$0x0], $0xffff;
	[tilespmem:s28+$0x120] =	vst v49  }
0x161: {  	v63 =	vor.u32 v20, v24;
	[tilespmem:s28+$0xFFFFFEB0] =	vst v52;
	v39 =	vld.idx.msk [tilespmem:v54+s14+$0x0], $0xffff  }
0x162: {  	v59 =	vor.u32 v21, v28;
	v36 =	vld.idx.msk [tilespmem:v56+s14+$0x0], $0xffff;
	[tilespmem:s28+$0xFFFFFF30] =	vst v35  }
0x163: {  	v61 =	vor.u32 v20, v26;
	v32 =	vld.idx.msk [tilespmem:v57+s14+$0x0], $0xffff;
	[tilespmem:s28+$0xFFFFFFB0] =	vst v33  }
0x164: {  	v62 =	vor.u32 v20, v25;
	v40 =	vld.idx.msk [tilespmem:v58+s14+$0x0], $0xffff;
	[tilespmem:s28+$0x30] =	vst v37  }
0x165: {  	v48 =	vor.u32 v21, v31;
	[tilespmem:s28+$0xFFFFFE30] =	vst v42;
	v43 =	vld.idx.msk [tilespmem:v60+s14+$0x0], $0xffff  }
0x166: {  	v50 =	vor.u32 v21, v30;
	v42 =	vld.idx.msk [tilespmem:v63+s14+$0x0], $0xffff;
	[tilespmem:s28+$0x1C0] =	vst v38  }
0x167: {  	v52 =	vor.u32 v21, v29;
	[tilespmem:s28+$0xB0] =	vst v34;
	v49 =	vld.idx.msk [tilespmem:v59+s14+$0x0], $0xffff  }
0x168: {  	v51 =	vor.u32 v22, v28;
	v34 =	vld.idx.msk [tilespmem:v61+s14+$0x0], $0xffff;
	[tilespmem:s28+$0x130] =	vst v39  }
0x169: {  	v53 =	vor.u32 v21, v27;
	[tilespmem:s28+$0xFFFFFEC0] =	vst v36;
	v33 =	vld.idx.msk [tilespmem:v62+s14+$0x0], $0xffff  }
0x16a: {  	v56 =	vor.u32 v21, v24;
	v38 =	vld.idx.msk [tilespmem:v48+s14+$0x0], $0xffff;
	[tilespmem:s28+$0xFFFFFF40] =	vst v32  }
0x16b: {  	v54 =	vor.u32 v21, v26;
	v41 =	vld.idx.msk [tilespmem:v50+s14+$0x0], $0xffff;
	[tilespmem:s28+$0xFFFFFFC0] =	vst v40  }
0x16c: {  	v55 =	vor.u32 v21, v25;
	v39 =	vld.idx.msk [tilespmem:v52+s14+$0x0], $0xffff;
	[tilespmem:s28+$0x1D0] =	vst v49  }
0x16d: {  	v57 =	vor.u32 v22, v31;
	[tilespmem:s28+$0x40] =	vst v43;
	v35 =	vld.idx.msk [tilespmem:v51+s14+$0x0], $0xffff  }
0x16e: {  	v28 =	vor.u32 v23, v28;
	[tilespmem:s28+$0xFFFFFE40] =	vst v42;
	v36 =	vld.idx.msk [tilespmem:v53+s14+$0x0], $0xffff  }
0x16f: {  	v58 =	vor.u32 v22, v30;
	[tilespmem:s28+$0xC0] =	vst v34;
	v46 =	vld.idx.msk [tilespmem:v56+s14+$0x0], $0xffff  }
0x170: {  	s29 =	simm.s32 $0x8;
	v59 =	vor.u32 v22, v29;
	v45 =	vld.idx.msk [tilespmem:v54+s14+$0x0], $0xffff;
	[tilespmem:s28+$0x140] =	vst v33  }
0x171: {  	v61 =	vor.u32 v22, v27;
	v62 =	vmov s29;
	[tilespmem:s28+$0xFFFFFED0] =	vst v38;
	v60 =	vld.idx.msk [tilespmem:v55+s14+$0x0], $0xffff  }
0x172: {  	v47 =	vor.u32 v22, v26;
	v63 =	vand.u32 $0x78, v62;
	v33 =	vld.idx.msk [tilespmem:v57+s14+$0x0], $0xffff;
	[tilespmem:s28+$0x1E0] =	vst v35  }
0x173: {  	v48 =	vor.u32 v22, v25;
	[tilespmem:s28+$0xFFFFFF50] =	vst v41;
	v43 =	vld.idx.msk [tilespmem:v28+s14+$0x0], $0xffff;
	v28 =	vbroadcast v63, $0x0  }
0x174: {  	v44 =	vor.u32 v22, v24;
	v37 =	vld.idx.msk [tilespmem:v58+s14+$0x0], $0xffff;
	[tilespmem:s28+$0xFFFFFFD0] =	vst v39  }
0x175: {  	v34 =	vld.idx.msk [tilespmem:v59+s14+$0x0], $0xffff;
	[tilespmem:s28+$0x50] =	vst v36;
	v32 =	vor.u32 v11, v28  }
0x176: {  	s30 =	simm.s32 $0xA;
	s1 =	simm.s32 $0x9;
	v40 =	vor.u32 v23, v31;
	[tilespmem:s28+$0xD0] =	vst v45;
	v35 =	vld.idx.msk [tilespmem:v61+s14+$0x0], $0xffff  }
0x177: {  	v30 =	vor.u32 v23, v30;
	v31 =	vmov s1;
	s1 =	simm.s32 $0xB;
	v41 =	vmov s30;
	s30 =	simm.s32 $0xC;
	v36 =	vld.idx.msk [tilespmem:v47+s14+$0x0], $0xffff;
	[tilespmem:s28+$0x150] =	vst v60  }
0x178: {  	s31 =	simm.s32 $0xF;
	v29 =	vor.u32 v23, v29;
	v42 =	vmov s1;
	s1 =	simm.s32 $0xD;
	v38 =	vmov s30;
	s30 =	simm.s32 $0x10;
	[tilespmem:s28+$0xFFFFFE50] =	vst v46;
	v39 =	vld.idx.msk [tilespmem:v48+s14+$0x0], $0xffff  }
.LBB2_9:
0x179: {  	p0 =	slt.u32 s30, $0x38;
	v45 =	vmov s1;
	s1 =	sadd.s32 $0x6, s29;
	v46 =	vmov s31;
	v44 =	vld.idx.msk [tilespmem:v44+s14+$0x0], $0xffff;
	v27 =	vor.u32 v23, v27;
	[tilespmem:s28+$0x1F0] =	vst v43;
	s29 =	smov.u32 s30  }
0x17a: {  	v26 =	vor.u32 v23, v26;
	v43 =	vld.idx.msk [tilespmem:v32+s14+$0x0], $0xffff;
	v47 =	vmov s1;
	v32 =	vand.u32 $0x7F, v46;
	[tilespmem:s28+$0xFFFFFEE0] =	vst v33  }
0x17b: {  	v31 =	vand.u32 $0x79, v31;
	v25 =	vor.u32 v23, v25;
	v32 =	vbroadcast v32, $0x0;
	v33 =	vld.idx.msk [tilespmem:v40+s14+$0x0], $0xffff;
	[tilespmem:s28+$0xFFFFFF60] =	vst v37  }
0x17c: {  	v31 =	vbroadcast v31, $0x0;
	v37 =	vand.u32 $0x7A, v41;
	v40 =	vor.u32 v23, v24;
	v24 =	vmovc v28;
	v41 =	vld.idx.msk [tilespmem:v30+s14+$0x0], $0xffff;
	[tilespmem:s28+$0xFFFFFFE0] =	vst v34  }
0x17d: {  	v28 =	vand.u32 $0x7B, v42;
	v30 =	vbroadcast v37, $0x0;
	v34 =	vor.u32 v11, v32;
	v37 =	vld.idx.msk [tilespmem:v29+s14+$0x0], $0xffff;
	[tilespmem:s28+$0x60] =	vst v35  }
0x17e: {  	v35 =	vor.u32 v11, v31;
	v29 =	vbroadcast v28, $0x0;
	v28 =	vand.u32 $0x7C, v38;
	v38 =	vld.idx.msk [tilespmem:v27+s14+$0x0], $0xffff;
	[tilespmem:s28+$0xE0] =	vst v36  }
0x17f: {  	v36 =	vor.u32 v11, v30;
	v27 =	vbroadcast v28, $0x0;
	v28 =	vand.u32 $0x7D, v45;
	v42 =	vld.idx.msk [tilespmem:v26+s14+$0x0], $0xffff;
	[tilespmem:s28+$0x160] =	vst v39  }
0x180: {  	v39 =	vor.u32 v11, v29;
	v26 =	vbroadcast v28, $0x0;
	v28 =	vand.u32 $0x7E, v47;
	[tilespmem:s28+$0xFFFFFE60] =	vst v44;
	v44 =	vld.idx.msk [tilespmem:v25+s14+$0x0], $0xffff  }
0x181: {  	v45 =	vor.u32 v11, v27;
	v25 =	vbroadcast v28, $0x0;
	v28 =	vld.idx.msk [tilespmem:v40+s14+$0x0], $0xffff;
	[tilespmem:s28+$0xFFFFFEF0] =	vst v33  }
0x182: {  	v33 =	vor.u32 v11, v26;
	v34 =	vld.idx.msk [tilespmem:v34+s14+$0x0], $0xffff;
	[tilespmem:s28+$0xFFFFFF70] =	vst v41  }
0x183: {  	v40 =	vor.u32 v11, v25;
	v35 =	vld.idx.msk [tilespmem:v35+s14+$0x0], $0xffff;
	[tilespmem:s28+$0xFFFFFFF0] =	vst v37  }
0x184: {  	v37 =	vor.u32 v17, v32;
	v36 =	vld.idx.msk [tilespmem:v36+s14+$0x0], $0xffff;
	[tilespmem:s28+$0x70] =	vst v38  }
0x185: {  	v38 =	vor.u32 v17, v31;
	v39 =	vld.idx.msk [tilespmem:v39+s14+$0x0], $0xffff;
	[tilespmem:s28+$0xF0] =	vst v42  }
0x186: {  	v41 =	vor.u32 v17, v30;
	v42 =	vld.idx.msk [tilespmem:v45+s14+$0x0], $0xffff;
	[tilespmem:s28+$0x170] =	vst v44  }
0x187: {  	v44 =	vor.u32 v17, v29;
	v33 =	vld.idx.msk [tilespmem:v33+s14+$0x0], $0xffff;
	[tilespmem:s28+$0xFFFFFE70] =	vst v28;
	s28 =	sadd.s32 $0x400, s28  }
0x188: {  	v28 =	vor.u32 v17, v27;
	v40 =	vld.idx.msk [tilespmem:v40+s14+$0x0], $0xffff;
	[tilespmem:s28+$0x180] =	vst v34  }
0x189: {  	v34 =	vor.u32 v17, v26;
	[tilespmem:s28+$0xFFFFFE80] =	vst v35;
	v35 =	vld.idx.msk [tilespmem:v37+s14+$0x0], $0xffff  }
0x18a: {  	v37 =	vld.idx.msk [tilespmem:v38+s14+$0x0], $0xffff;
	[tilespmem:s28+$0xFFFFFF00] =	vst v36;
	v36 =	vor.u32 v17, v25  }
0x18b: {  	v38 =	vld.idx.msk [tilespmem:v41+s14+$0x0], $0xffff;
	[tilespmem:s28+$0xFFFFFF80] =	vst v39;
	v39 =	vor.u32 v18, v32  }
0x18c: {  	v41 =	vor.u32 v17, v24;
	v44 =	vld.idx.msk [tilespmem:v44+s14+$0x0], $0xffff;
	[tilespmem:s28+$0x0] =	vst v42  }
0x18d: {  	v42 =	vor.u32 v18, v31;
	v28 =	vld.idx.msk [tilespmem:v28+s14+$0x0], $0xffff;
	[tilespmem:s28+$0x80] =	vst v33  }
0x18e: {  	v33 =	vor.u32 v18, v30;
	v34 =	vld.idx.msk [tilespmem:v34+s14+$0x0], $0xffff;
	[tilespmem:s28+$0x100] =	vst v40  }
0x18f: {  	v40 =	vor.u32 v18, v29;
	v36 =	vld.idx.msk [tilespmem:v36+s14+$0x0], $0xffff;
	[tilespmem:s28+$0x190] =	vst v35  }
0x190: {  	v35 =	vor.u32 v18, v27;
	[tilespmem:s28+$0xFFFFFE00] =	vst v43;
	v39 =	vld.idx.msk [tilespmem:v39+s14+$0x0], $0xffff  }
0x191: {  	v41 =	vld.idx.msk [tilespmem:v41+s14+$0x0], $0xffff;
	[tilespmem:s28+$0xFFFFFE90] =	vst v37;
	v37 =	vor.u32 v18, v26  }
0x192: {  	v42 =	vld.idx.msk [tilespmem:v42+s14+$0x0], $0xffff;
	[tilespmem:s28+$0xFFFFFF10] =	vst v38;
	v38 =	vor.u32 v19, v32  }
0x193: {  	v43 =	vor.u32 v18, v25;
	v33 =	vld.idx.msk [tilespmem:v33+s14+$0x0], $0xffff;
	[tilespmem:s28+$0xFFFFFF90] =	vst v44  }
0x194: {  	v44 =	vor.u32 v18, v24;
	v40 =	vld.idx.msk [tilespmem:v40+s14+$0x0], $0xffff;
	[tilespmem:s28+$0x10] =	vst v28  }
0x195: {  	v28 =	vor.u32 v19, v31;
	v35 =	vld.idx.msk [tilespmem:v35+s14+$0x0], $0xffff;
	[tilespmem:s28+$0x90] =	vst v34  }
0x196: {  	v34 =	vor.u32 v19, v30;
	v37 =	vld.idx.msk [tilespmem:v37+s14+$0x0], $0xffff;
	[tilespmem:s28+$0x1A0] =	vst v39  }
0x197: {  	v39 =	vor.u32 v19, v29;
	[tilespmem:s28+$0x110] =	vst v36;
	v36 =	vld.idx.msk [tilespmem:v38+s14+$0x0], $0xffff  }
0x198: {  	v38 =	vor.u32 v19, v27;
	[tilespmem:s28+$0xFFFFFE10] =	vst v41;
	v41 =	vld.idx.msk [tilespmem:v43+s14+$0x0], $0xffff  }
0x199: {  	v43 =	vld.idx.msk [tilespmem:v44+s14+$0x0], $0xffff;
	[tilespmem:s28+$0xFFFFFEA0] =	vst v42;
	v42 =	vor.u32 v20, v32  }
0x19a: {  	v28 =	vld.idx.msk [tilespmem:v28+s14+$0x0], $0xffff;
	[tilespmem:s28+$0xFFFFFF20] =	vst v33;
	v33 =	vor.u32 v19, v26  }
0x19b: {  	v34 =	vld.idx.msk [tilespmem:v34+s14+$0x0], $0xffff;
	[tilespmem:s28+$0xFFFFFFA0] =	vst v40;
	v40 =	vor.u32 v19, v25  }
0x19c: {  	v44 =	vor.u32 v19, v24;
	v39 =	vld.idx.msk [tilespmem:v39+s14+$0x0], $0xffff;
	[tilespmem:s28+$0x20] =	vst v35  }
0x19d: {  	v35 =	vor.u32 v20, v31;
	v38 =	vld.idx.msk [tilespmem:v38+s14+$0x0], $0xffff;
	[tilespmem:s28+$0x1B0] =	vst v36  }
0x19e: {  	v36 =	vor.u32 v20, v30;
	[tilespmem:s28+$0xA0] =	vst v37;
	v37 =	vld.idx.msk [tilespmem:v42+s14+$0x0], $0xffff  }
0x19f: {  	v42 =	vor.u32 v20, v29;
	v33 =	vld.idx.msk [tilespmem:v33+s14+$0x0], $0xffff;
	[tilespmem:s28+$0x120] =	vst v41  }
0x1a0: {  	v41 =	vor.u32 v21, v32;
	[tilespmem:s28+$0xFFFFFE20] =	vst v43;
	v40 =	vld.idx.msk [tilespmem:v40+s14+$0x0], $0xffff  }
0x1a1: {  	v43 =	vld.idx.msk [tilespmem:v44+s14+$0x0], $0xffff;
	[tilespmem:s28+$0xFFFFFEB0] =	vst v28;
	v28 =	vor.u32 v20, v27  }
0x1a2: {  	v35 =	vld.idx.msk [tilespmem:v35+s14+$0x0], $0xffff;
	[tilespmem:s28+$0xFFFFFF30] =	vst v34;
	v34 =	vor.u32 v20, v26  }
0x1a3: {  	v36 =	vld.idx.msk [tilespmem:v36+s14+$0x0], $0xffff;
	[tilespmem:s28+$0xFFFFFFB0] =	vst v39;
	v39 =	vor.u32 v20, v25  }
0x1a4: {  	v44 =	vor.u32 v20, v24;
	v42 =	vld.idx.msk [tilespmem:v42+s14+$0x0], $0xffff;
	[tilespmem:s28+$0x1C0] =	vst v37  }
0x1a5: {  	v37 =	vor.u32 v21, v31;
	[tilespmem:s28+$0x30] =	vst v38;
	v38 =	vld.idx.msk [tilespmem:v41+s14+$0x0], $0xffff  }
0x1a6: {  	v41 =	vor.u32 v21, v30;
	v28 =	vld.idx.msk [tilespmem:v28+s14+$0x0], $0xffff;
	[tilespmem:s28+$0xB0] =	vst v33  }
0x1a7: {  	v33 =	vld.idx.msk [tilespmem:v34+s14+$0x0], $0xffff;
	[tilespmem:s28+$0x130] =	vst v40;
	v34 =	vor.u32 v22, v32  }
0x1a8: {  	v40 =	vor.u32 v21, v29;
	[tilespmem:s28+$0xFFFFFE30] =	vst v43;
	v39 =	vld.idx.msk [tilespmem:v39+s14+$0x0], $0xffff  }
0x1a9: {  	v43 =	vld.idx.msk [tilespmem:v44+s14+$0x0], $0xffff;
	[tilespmem:s28+$0xFFFFFEC0] =	vst v35;
	v35 =	vor.u32 v21, v27  }
0x1aa: {  	v37 =	vld.idx.msk [tilespmem:v37+s14+$0x0], $0xffff;
	[tilespmem:s28+$0xFFFFFF40] =	vst v36;
	v36 =	vor.u32 v21, v26  }
0x1ab: {  	v44 =	vor.u32 v21, v25;
	v41 =	vld.idx.msk [tilespmem:v41+s14+$0x0], $0xffff;
	[tilespmem:s28+$0x1D0] =	vst v38  }
0x1ac: {  	v38 =	vor.u32 v21, v24;
	[tilespmem:s28+$0xFFFFFFC0] =	vst v42;
	v34 =	vld.idx.msk [tilespmem:v34+s14+$0x0], $0xffff  }
0x1ad: {  	v42 =	vor.u32 v22, v31;
	v40 =	vld.idx.msk [tilespmem:v40+s14+$0x0], $0xffff;
	[tilespmem:s28+$0x40] =	vst v28  }
0x1ae: {  	v32 =	vor.u32 v23, v32;
	v35 =	vld.idx.msk [tilespmem:v35+s14+$0x0], $0xffff;
	[tilespmem:s28+$0xC0] =	vst v33  }
0x1af: {  	v45 =	vor.u32 v22, v30;
	v36 =	vld.idx.msk [tilespmem:v36+s14+$0x0], $0xffff;
	[tilespmem:s28+$0x140] =	vst v39  }
0x1b0: {  	v39 =	vor.u32 v22, v29;
	[tilespmem:s28+$0xFFFFFE40] =	vst v43;
	v46 =	vld.idx.msk [tilespmem:v44+s14+$0x0], $0xffff  }
0x1b1: {  	v28 =	vmov s30;
	v47 =	vld.idx.msk [tilespmem:v38+s14+$0x0], $0xffff;
	[tilespmem:s28+$0xFFFFFED0] =	vst v37;
	v38 =	vor.u32 v22, v27  }
0x1b2: {  	v28 =	vand.u32 $0x78, v28;
	v33 =	vld.idx.msk [tilespmem:v42+s14+$0x0], $0xffff;
	v42 =	vor.u32 v22, v26;
	[tilespmem:s28+$0x1E0] =	vst v34  }
0x1b3: {  	v48 =	vor.u32 v22, v25;
	v28 =	vbroadcast v28, $0x0;
	[tilespmem:s28+$0xFFFFFF50] =	vst v41;
	v43 =	vld.idx.msk [tilespmem:v32+s14+$0x0], $0xffff  }
.Ltmp6:
0x1b4: {  	v44 =	vor.u32 v22, v24;
	v37 =	vld.idx.msk [tilespmem:v45+s14+$0x0], $0xffff;
	[tilespmem:s28+$0xFFFFFFD0] =	vst v40;
	(pc) =	sbr.rel @p0 .LBB2_9-.Ltmp6, $4  }
0x1b5: {  	v32 =	vor.u32 v11, v28;
	v34 =	vld.idx.msk [tilespmem:v39+s14+$0x0], $0xffff;
	[tilespmem:s28+$0x50] =	vst v35  }
0x1b6: {  	s31 =	sadd.s32 $0x2, s30;
	s1 =	sadd.s32 $0x1, s30;
	v40 =	vor.u32 v23, v31;
	v35 =	vld.idx.msk [tilespmem:v38+s14+$0x0], $0xffff;
	[tilespmem:s28+$0xD0] =	vst v36  }
0x1b7: {  	v30 =	vor.u32 v23, v30;
	v41 =	vmov s31;
	s31 =	sadd.s32 $0x4, s30;
	v31 =	vmov s1;
	s1 =	sadd.s32 $0x3, s30;
	v36 =	vld.idx.msk [tilespmem:v42+s14+$0x0], $0xffff;
	[tilespmem:s28+$0x150] =	vst v46  }
0x1b8: {  	v29 =	vor.u32 v23, v29;
	s30 =	sadd.s32 $0x8, s30;
	v38 =	vmov s31;
	s31 =	sadd.s32 $0x7, s29;
	v42 =	vmov s1;
	s1 =	sadd.s32 $0x5, s29;
	[tilespmem:s28+$0xFFFFFE50] =	vst v47;
	v39 =	vld.idx.msk [tilespmem:v48+s14+$0x0], $0xffff  }
0x1b9: {  	_ =	sdelay $0x1  }
0x1ba: {  	[tilespmem:s28+$0x1F0] =	vst v43  }
0x1bb: {  	[tilespmem:s28+$0xFFFFFEE0] =	vst v33  }
0x1bc: {  	v52 =	vmov s1;
	v45 =	vmov s31;
	v27 =	vor.u32 v23, v27;
	v53 =	vld.idx.msk [tilespmem:v44+s14+$0x0], $0xffff;
	[tilespmem:s28+$0xFFFFFF60] =	vst v37  }
0x1bd: {  	v46 =	vor.u32 v23, v26;
	v55 =	vand.u32 $0x79, v31;
	v57 =	vor.u32 v23, v25;
	v32 =	vld.idx.msk [tilespmem:v32+s14+$0x0], $0xffff;
	[tilespmem:s28+$0xFFFFFFE0] =	vst v34  }
0x1be: {  	v58 =	vand.u32 $0x7A, v41;
	v59 =	vor.u32 v23, v24;
	v56 =	vld.idx.msk [tilespmem:v40+s14+$0x0], $0xffff;
	v25 =	vbroadcast v55, $0x0;
	[tilespmem:s28+$0x60] =	vst v35  }
0x1bf: {  	v61 =	vand.u32 $0x7B, v42;
	v45 =	vand.u32 $0x7F, v45;
	v60 =	vld.idx.msk [tilespmem:v30+s14+$0x0], $0xffff;
	v24 =	vbroadcast v58, $0x0;
	[tilespmem:s28+$0xE0] =	vst v36  }
0x1c0: {  	v26 =	vbroadcast v61, $0x0;
	v31 =	vbroadcast v45, $0x0;
	v63 =	vld.idx.msk [tilespmem:v29+s14+$0x0], $0xffff;
	v45 =	vor.u32 v11, v25;
	[tilespmem:s28+$0x160] =	vst v39  }
0x1c1: {  	s29 =	sadd.s32 $0x6, s29;
	v47 =	vand.u32 $0x7C, v38;
	s30 =	sadd.s32 $0x400, s28;
	v50 =	vand.u32 $0x7D, v52;
	v49 =	vor.u32 v11, v24;
	v48 =	vld.idx.msk [tilespmem:v27+s14+$0x0], $0xffff;
	[tilespmem:s28+$0xFFFFFE60] =	vst v53  }
0x1c2: {  	v54 =	vmov s29;
	v29 =	vbroadcast v50, $0x0;
	v52 =	vor.u32 v11, v26;
	v51 =	vld.idx.msk [tilespmem:v46+s14+$0x0], $0xffff;
	[tilespmem:s30+$0xFFFFFE00] =	vst v32  }
0x1c3: {  	v62 =	vor.u32 v11, v31;
	v27 =	vbroadcast v47, $0x0;
	v53 =	vand.u32 $0x7E, v54;
	v40 =	vld.idx.msk [tilespmem:v57+s14+$0x0], $0xffff;
	[tilespmem:s28+$0xFFFFFEF0] =	vst v56  }
0x1c4: {  	v55 =	vor.u32 v11, v29;
	v30 =	vbroadcast v53, $0x0;
	v34 =	vld.idx.msk [tilespmem:v59+s14+$0x0], $0xffff;
	[tilespmem:s28+$0xFFFFFF70] =	vst v60  }
0x1c5: {  	v54 =	vor.u32 v11, v27;
	[tilespmem:s28+$0xFFFFFFF0] =	vst v63;
	v36 =	vld.idx.msk [tilespmem:v45+s14+$0x0], $0xffff  }
0x1c6: {  	v56 =	vor.u32 v11, v30;
	v57 =	vld.idx.msk [tilespmem:v49+s14+$0x0], $0xffff;
	[tilespmem:s28+$0x70] =	vst v48  }
0x1c7: {  	v59 =	vor.u32 v17, v25;
	v33 =	vld.idx.msk [tilespmem:v52+s14+$0x0], $0xffff;
	[tilespmem:s28+$0xF0] =	vst v51  }
0x1c8: {  	v60 =	vor.u32 v17, v24;
	v35 =	vld.idx.msk [tilespmem:v62+s14+$0x0], $0xffff;
	[tilespmem:s28+$0x170] =	vst v40  }
0x1c9: {  	v61 =	vor.u32 v17, v26;
	v41 =	vld.idx.msk [tilespmem:v55+s14+$0x0], $0xffff;
	[tilespmem:s28+$0xFFFFFE70] =	vst v34  }
0x1ca: {  	v58 =	vor.u32 v17, v31;
	v37 =	vld.idx.msk [tilespmem:v54+s14+$0x0], $0xffff;
	[tilespmem:s30+$0xFFFFFE80] =	vst v36  }
0x1cb: {  	v63 =	vor.u32 v17, v29;
	v42 =	vld.idx.msk [tilespmem:v56+s14+$0x0], $0xffff;
	[tilespmem:s30+$0xFFFFFF00] =	vst v57  }
0x1cc: {  	v48 =	vor.u32 v17, v28;
	[tilespmem:s30+$0xFFFFFF80] =	vst v33;
	v45 =	vld.idx.msk [tilespmem:v59+s14+$0x0], $0xffff  }
0x1cd: {  	v62 =	vor.u32 v17, v27;
	[tilespmem:s30+$0x180] =	vst v35;
	v34 =	vld.idx.msk [tilespmem:v60+s14+$0x0], $0xffff  }
0x1ce: {  	v47 =	vor.u32 v17, v30;
	[tilespmem:s30+$0x80] =	vst v41;
	v35 =	vld.idx.msk [tilespmem:v61+s14+$0x0], $0xffff  }
0x1cf: {  	v49 =	vor.u32 v18, v25;
	v39 =	vld.idx.msk [tilespmem:v58+s14+$0x0], $0xffff;
	[tilespmem:s30+$0x0] =	vst v37  }
0x1d0: {  	v50 =	vor.u32 v18, v24;
	v38 =	vld.idx.msk [tilespmem:v63+s14+$0x0], $0xffff;
	[tilespmem:s30+$0x100] =	vst v42  }
0x1d1: {  	v51 =	vor.u32 v18, v26;
	v54 =	vld.idx.msk [tilespmem:v48+s14+$0x0], $0xffff;
	[tilespmem:s30+$0xFFFFFE90] =	vst v45  }
0x1d2: {  	v46 =	vor.u32 v18, v31;
	v36 =	vld.idx.msk [tilespmem:v62+s14+$0x0], $0xffff;
	[tilespmem:s30+$0xFFFFFF10] =	vst v34  }
0x1d3: {  	v56 =	vor.u32 v18, v29;
	v52 =	vld.idx.msk [tilespmem:v47+s14+$0x0], $0xffff;
	[tilespmem:s30+$0xFFFFFF90] =	vst v35  }
0x1d4: {  	v59 =	vor.u32 v18, v28;
	[tilespmem:s30+$0x190] =	vst v39;
	v42 =	vld.idx.msk [tilespmem:v49+s14+$0x0], $0xffff  }
0x1d5: {  	v53 =	vor.u32 v18, v27;
	v57 =	vld.idx.msk [tilespmem:v50+s14+$0x0], $0xffff;
	[tilespmem:s30+$0x90] =	vst v38  }
0x1d6: {  	v58 =	vor.u32 v18, v30;
	v32 =	vld.idx.msk [tilespmem:v51+s14+$0x0], $0xffff;
	[tilespmem:s30+$0xFFFFFE10] =	vst v54  }
0x1d7: {  	v60 =	vor.u32 v19, v25;
	v40 =	vld.idx.msk [tilespmem:v46+s14+$0x0], $0xffff;
	[tilespmem:s30+$0x10] =	vst v36  }
0x1d8: {  	v61 =	vor.u32 v19, v24;
	v62 =	vld.idx.msk [tilespmem:v56+s14+$0x0], $0xffff;
	[tilespmem:s30+$0x110] =	vst v52  }
0x1d9: {  	v63 =	vor.u32 v19, v26;
	v38 =	vld.idx.msk [tilespmem:v59+s14+$0x0], $0xffff;
	[tilespmem:s30+$0xFFFFFEA0] =	vst v42  }
0x1da: {  	v55 =	vor.u32 v19, v31;
	v37 =	vld.idx.msk [tilespmem:v53+s14+$0x0], $0xffff;
	[tilespmem:s30+$0xFFFFFF20] =	vst v57  }
0x1db: {  	v48 =	vor.u32 v19, v29;
	v39 =	vld.idx.msk [tilespmem:v58+s14+$0x0], $0xffff;
	[tilespmem:s30+$0xFFFFFFA0] =	vst v32  }
0x1dc: {  	v50 =	vor.u32 v19, v28;
	[tilespmem:s30+$0x1A0] =	vst v40;
	v47 =	vld.idx.msk [tilespmem:v60+s14+$0x0], $0xffff  }
0x1dd: {  	v46 =	vor.u32 v19, v27;
	v33 =	vld.idx.msk [tilespmem:v61+s14+$0x0], $0xffff;
	[tilespmem:s30+$0xA0] =	vst v62  }
0x1de: {  	v49 =	vor.u32 v19, v30;
	v35 =	vld.idx.msk [tilespmem:v63+s14+$0x0], $0xffff;
	[tilespmem:s30+$0xFFFFFE20] =	vst v38  }
0x1df: {  	v51 =	vor.u32 v20, v25;
	v41 =	vld.idx.msk [tilespmem:v55+s14+$0x0], $0xffff;
	[tilespmem:s30+$0x20] =	vst v37  }
0x1e0: {  	v52 =	vor.u32 v20, v24;
	v53 =	vld.idx.msk [tilespmem:v48+s14+$0x0], $0xffff;
	[tilespmem:s30+$0x120] =	vst v39  }
0x1e1: {  	v45 =	vor.u32 v20, v31;
	v56 =	vld.idx.msk [tilespmem:v50+s14+$0x0], $0xffff;
	[tilespmem:s30+$0xFFFFFEB0] =	vst v47  }
0x1e2: {  	v55 =	vor.u32 v20, v26;
	v36 =	vld.idx.msk [tilespmem:v46+s14+$0x0], $0xffff;
	[tilespmem:s30+$0xFFFFFF30] =	vst v33  }
0x1e3: {  	v58 =	vor.u32 v20, v29;
	v37 =	vld.idx.msk [tilespmem:v49+s14+$0x0], $0xffff;
	[tilespmem:s30+$0xFFFFFFB0] =	vst v35  }
0x1e4: {  	v60 =	vor.u32 v20, v28;
	[tilespmem:s30+$0x1B0] =	vst v41;
	v34 =	vld.idx.msk [tilespmem:v51+s14+$0x0], $0xffff  }
0x1e5: {  	v57 =	vor.u32 v20, v27;
	v39 =	vld.idx.msk [tilespmem:v52+s14+$0x0], $0xffff;
	[tilespmem:s30+$0xB0] =	vst v53  }
0x1e6: {  	v59 =	vor.u32 v20, v30;
	[tilespmem:s30+$0xFFFFFE30] =	vst v56;
	v42 =	vld.idx.msk [tilespmem:v45+s14+$0x0], $0xffff  }
0x1e7: {  	v61 =	vor.u32 v21, v25;
	v32 =	vld.idx.msk [tilespmem:v55+s14+$0x0], $0xffff;
	[tilespmem:s30+$0x30] =	vst v36  }
0x1e8: {  	v54 =	vor.u32 v21, v31;
	v35 =	vld.idx.msk [tilespmem:v58+s14+$0x0], $0xffff;
	[tilespmem:s30+$0x130] =	vst v37  }
0x1e9: {  	v45 =	vor.u32 v21, v24;
	v36 =	vld.idx.msk [tilespmem:v60+s14+$0x0], $0xffff;
	[tilespmem:s30+$0xFFFFFEC0] =	vst v34  }
0x1ea: {  	v46 =	vor.u32 v21, v26;
	v62 =	vld.idx.msk [tilespmem:v57+s14+$0x0], $0xffff;
	[tilespmem:s30+$0xFFFFFF40] =	vst v39  }
0x1eb: {  	v50 =	vor.u32 v21, v28;
	[tilespmem:s30+$0x1C0] =	vst v42;
	v42 =	vld.idx.msk [tilespmem:v59+s14+$0x0], $0xffff  }
0x1ec: {  	v47 =	vor.u32 v21, v27;
	[tilespmem:s30+$0xFFFFFFC0] =	vst v32;
	v38 =	vld.idx.msk [tilespmem:v61+s14+$0x0], $0xffff  }
0x1ed: {  	v48 =	vor.u32 v21, v29;
	[tilespmem:s30+$0xC0] =	vst v35;
	v40 =	vld.idx.msk [tilespmem:v54+s14+$0x0], $0xffff  }
0x1ee: {  	v49 =	vor.u32 v21, v30;
	v33 =	vld.idx.msk [tilespmem:v45+s14+$0x0], $0xffff;
	[tilespmem:s30+$0xFFFFFE40] =	vst v36  }
0x1ef: {  	v51 =	vor.u32 v22, v25;
	v34 =	vld.idx.msk [tilespmem:v46+s14+$0x0], $0xffff;
	[tilespmem:s30+$0x40] =	vst v62  }
0x1f0: {  	v52 =	vor.u32 v22, v24;
	v37 =	vld.idx.msk [tilespmem:v50+s14+$0x0], $0xffff;
	[tilespmem:s30+$0x140] =	vst v42  }
0x1f1: {  	v53 =	vor.u32 v22, v26;
	v39 =	vld.idx.msk [tilespmem:v47+s14+$0x0], $0xffff;
	[tilespmem:s30+$0xFFFFFED0] =	vst v38  }
0x1f2: {  	v63 =	vor.u32 v22, v31;
	[tilespmem:s30+$0x1D0] =	vst v40;
	v40 =	vld.idx.msk [tilespmem:v48+s14+$0x0], $0xffff  }
0x1f3: {  	v58 =	vor.u32 v22, v28;
	[tilespmem:s30+$0xFFFFFF50] =	vst v33;
	v32 =	vld.idx.msk [tilespmem:v49+s14+$0x0], $0xffff  }
0x1f4: {  	v54 =	vor.u32 v22, v27;
	[tilespmem:s30+$0xFFFFFFD0] =	vst v34;
	v56 =	vld.idx.msk [tilespmem:v51+s14+$0x0], $0xffff  }
0x1f5: {  	v55 =	vor.u32 v22, v29;
	v36 =	vld.idx.msk [tilespmem:v52+s14+$0x0], $0xffff;
	[tilespmem:s30+$0xFFFFFE50] =	vst v37  }
0x1f6: {  	v57 =	vor.u32 v22, v30;
	v38 =	vld.idx.msk [tilespmem:v53+s14+$0x0], $0xffff;
	[tilespmem:s30+$0x50] =	vst v39  }
0x1f7: {  	v25 =	vor.u32 v23, v25;
	v41 =	vld.idx.msk [tilespmem:v63+s14+$0x0], $0xffff;
	[tilespmem:s30+$0xD0] =	vst v40  }
0x1f8: {  	v24 =	vor.u32 v23, v24;
	v61 =	vld.idx.msk [tilespmem:v58+s14+$0x0], $0xffff;
	[tilespmem:s30+$0x150] =	vst v32  }
0x1f9: {  	v26 =	vor.u32 v23, v26;
	v59 =	vld.idx.msk [tilespmem:v54+s14+$0x0], $0xffff;
	[tilespmem:s30+$0xFFFFFEE0] =	vst v56  }
0x1fa: {  	v31 =	vor.u32 v23, v31;
	[tilespmem:s30+$0xFFFFFF60] =	vst v36;
	v33 =	vld.idx.msk [tilespmem:v55+s14+$0x0], $0xffff  }
0x1fb: {  	v62 =	vor.u32 v23, v28;
	[tilespmem:s30+$0xFFFFFFE0] =	vst v38;
	v60 =	vld.idx.msk [tilespmem:v57+s14+$0x0], $0xffff  }
0x1fc: {  	v27 =	vor.u32 v23, v27;
	[tilespmem:s30+$0x1E0] =	vst v41;
	v25 =	vld.idx.msk [tilespmem:v25+s14+$0x0], $0xffff  }
0x1fd: {  	v29 =	vor.u32 v23, v29;
	v24 =	vld.idx.msk [tilespmem:v24+s14+$0x0], $0xffff;
	[tilespmem:s30+$0xFFFFFE60] =	vst v61  }
0x1fe: {  	v30 =	vor.u32 v23, v30;
	v26 =	vld.idx.msk [tilespmem:v26+s14+$0x0], $0xffff;
	[tilespmem:s30+$0x60] =	vst v59  }
0x1ff: {  	v31 =	vld.idx.msk [tilespmem:v31+s14+$0x0], $0xffff;
	[tilespmem:s30+$0xE0] =	vst v33  }
0x200: {  	v63 =	vld.idx.msk [tilespmem:v62+s14+$0x0], $0xffff;
	[tilespmem:s30+$0x160] =	vst v60  }
0x201: {  	v27 =	vld.idx.msk [tilespmem:v27+s14+$0x0], $0xffff;
	[tilespmem:s30+$0xFFFFFEF0] =	vst v25  }
0x202: {  	[tilespmem:s30+$0xFFFFFF70] =	vst v24;
	v29 =	vld.idx.msk [tilespmem:v29+s14+$0x0], $0xffff  }
0x203: {  	[tilespmem:s30+$0xFFFFFFF0] =	vst v26;
	v30 =	vld.idx.msk [tilespmem:v30+s14+$0x0], $0xffff  }
0x204: {  	p0 =	seq.s32 s24, $0x63;
	[tilespmem:s30+$0x1F0] =	vst v31  }
.Ltmp7:
0x205: {  	[tilespmem:s30+$0xFFFFFE70] =	vst v63;
	(pc) =	sbr.rel @p0 .LBB2_12-.Ltmp7, $4  }
0x206: {  	[tilespmem:s30+$0x70] =	vst v27  }
0x207: {  	[tilespmem:s30+$0xF0] =	vst v29  }
0x208: {  	s31 =	sadd.s32 s26, s7;
	[tilespmem:s30+$0x170] =	vst v30  }
0x209: {  	[hbm4b:s31+s16] =	stream.strided.scatter [tilespmem:s21], [sflag:$0x4], $0x2000, s17, s16, $0x38;
	[tilespmem:$0x12500] =	vst v63  }
0x20a: {  	s1 =	sadd.s32 $0x3, s25  }
0x20b: {  	s25 =	sand.u32 $0x3, s1  }
0x20c: {  	s25 =	smul.u32 $0x1900, s25  }
0x20d: {  	s1 =	sshrl.u32 s1, $0x2  }
0x20e: {  	s1 =	sadd.s32 s1, s25  }
0x20f: {  	v24 =	vadd.s32 s1, v0;
	_ =	sdelay $0x4  }
0x210: {  	s25 =	sadd.s32 $0x320, s1;
	v24 =	vld.idx.msk [tilespmem:v24+s3+$0x0], $0xffff  }
0x211: {  	v25 =	vadd.s32 s25, v0;
	_ =	sdelay $0x3  }
0x212: {  	[tilespmem:$0x6480] =	vst v24  }
0x213: {  	s26 =	sadd.s32 $0x640, s1;
	v24 =	vld.idx.msk [tilespmem:v25+s3+$0x0], $0xffff  }
0x214: {  	v58 =	vadd.s32 s26, v0;
	_ =	sdelay $0x3  }
0x215: {  	[tilespmem:$0x6490] =	vst v24  }
0x216: {  	s28 =	sadd.s32 $0x960, s1;
	v24 =	vld.idx.msk [tilespmem:v58+s3+$0x0], $0xffff  }
0x217: {  	v59 =	vadd.s32 s28, v0;
	_ =	sdelay $0x3  }
0x218: {  	[tilespmem:$0x64A0] =	vst v24  }
0x219: {  	s29 =	sadd.s32 $0xC80, s1;
	v24 =	vld.idx.msk [tilespmem:v59+s3+$0x0], $0xffff  }
0x21a: {  	v60 =	vadd.s32 s29, v0;
	_ =	sdelay $0x3  }
0x21b: {  	[tilespmem:$0x64B0] =	vst v24  }
0x21c: {  	s30 =	sadd.s32 $0xFA0, s1;
	v24 =	vld.idx.msk [tilespmem:v60+s3+$0x0], $0xffff  }
0x21d: {  	v61 =	vadd.s32 s30, v0;
	_ =	sdelay $0x3  }
0x21e: {  	[tilespmem:$0x64C0] =	vst v24  }
0x21f: {  	s31 =	sadd.s32 $0x12C0, s1;
	v24 =	vld.idx.msk [tilespmem:v61+s3+$0x0], $0xffff  }
0x220: {  	v62 =	vadd.s32 s31, v0;
	_ =	sdelay $0x3  }
0x221: {  	[tilespmem:$0x64D0] =	vst v24  }
0x222: {  	s1 =	sadd.s32 $0x15E0, s1;
	v24 =	vld.idx.msk [tilespmem:v62+s3+$0x0], $0xffff  }
0x223: {  	v63 =	vadd.s32 s1, v0;
	_ =	sdelay $0x3  }
0x224: {  	[tilespmem:$0x64E0] =	vst v24  }
0x225: {  	v24 =	vld.idx.msk [tilespmem:v63+s3+$0x0], $0xffff;
	_ =	sdelay $0x1  }
.Ltmp8:
0x226: {  	_ = 	snop;
	(pc) =	sbr.rel .LBB2_2-.Ltmp8, $3  }
0x227: {  	_ =	sdelay $0x1  }
0x228: {  	s24 =	sadd.s32 $0x1, s24;
	[tilespmem:$0x64F0] =	vst v24  }
0x229: {  	[tilespmem:s14], [sflag:$0x2] =	stream.indirect.gather [hbm4b:s4+s10], $0x80, s13, s10, $0xb8;
	[tilespmem:$0x12500] =	vst v63  }
.LBB2_13:
0x22a: {  	_ =	sfence.sel $0x180000  }
0x22b: {  	[bflag:$0x0] =	sbarrier.arrive $0xFFFF  }
0x22c: {  	_ =	strace $0x90000047  }
0x22d: {  	[bflag:$0x2] =	sbarrier.arrive $0xFFFF  }
0x22e: {  	p0 =	sne.s32 s0, $0x0;
	s0 =	rddreg [dreg:$0x2]  }
0x22f: {  	s0 =	sadd.s32 @!p0 $0x100000, s0  }
0x230: {  	[sflag:s0] =	ssyncadd.tile.s32 @!p0 $0x1;
	_ =	shalt  }
.Lfunc_end2:
_tile_overlayer_lowered:
.L_overlay_start_2:
0x231: {  	(tag) =	ssettag $0x2  }
0x232: {  	s0 =	rddreg [dreg:$0x0];
	s2 =	stileid.u32  }
0x233: {  	s1 =	rddreg [dreg:$0x1];
	p0 =	sne.s32 s2, $0x0  }
0x234: {  	s3 =	rddreg [dreg:$0x2];
	[bflag:$0x3] =	sbarrier.arrive $0xFFFF;
	s2 =	simm.s32 @!p0 $0x1C05  }
0x235: {  	[timem:s3], [sflag:s2] =	dma.local @!p0 [hbm:s0], s1  }
0x236: {  	s0 =	simm.s32 @!p0 $0x5  }
0x237: {  	_ =	swait.ge @!p0 [sflag:s0], s1  }
0x238: {  	s1 =	ssub.s32 @!p0 $0x0, s1;
	[sflag:s0] =	ssyncset.done @!p0 $0x0  }
0x239: {  	[sflag:s0] =	ssyncadd.s32 @!p0 s1  }
0x23a: {  	[bflag:$0x3] =	sbarrier.arrive $0xFFFF  }
0x23b: {  	_ =	shalt  }

</sc_bundles>
